<compile_context>
chip_gen: v7x
topology: tpu7x:2x2x1
jax: 0.10.2.dev20260603
libtpu: 0.0.44.dev20260713+nightly
codegen_flags: <defaults>
</compile_context>

<pallas_src>
import functools

import jax
import jax.numpy as jnp
from jax import lax
from jax.experimental import pallas as pl
from jax.experimental.pallas import tpu as pltpu
from jax.experimental.pallas import tpu_sc as plsc

N_TYPES = 7
D = 128
G = 128
W_EDGES = 1024
NPAD = 10240
HALF = NPAD // 2


def _sc_segment_sums(x, src, dst, ty, n_nodes, e_per_tile):
    num_windows = e_per_tile // W_EDGES
    cap = W_EDGES + G + 16
    mesh = plsc.VectorSubcoreMesh(core_axis_name="c", subcore_axis_name="s",
                                  num_cores=2, num_subcores=16)

    @functools.partial(
        pl.kernel,
        out_type=(
            jax.ShapeDtypeStruct((N_TYPES, NPAD, D), jnp.float32),
            jax.ShapeDtypeStruct((N_TYPES, NPAD), jnp.float32),
        ),
        mesh=mesh,
        compiler_params=pltpu.CompilerParams(needs_layout_passes=False),
        scratch_types=[
            pltpu.VMEM_SHARED((NPAD, D), jnp.float32),
            pltpu.VMEM_SHARED((NPAD,), jnp.float32),
            pltpu.VMEM((2, W_EDGES), jnp.int32),
            pltpu.VMEM((2, W_EDGES), jnp.int32),
            pltpu.VMEM((2, W_EDGES), jnp.int32),
            pltpu.VMEM((cap,), jnp.int32),
            pltpu.VMEM((cap,), jnp.int32),
            pltpu.VMEM((2, G), jnp.int32),
            pltpu.VMEM((2, G), jnp.int32),
            pltpu.VMEM((2, G, D), jnp.float32),
            pltpu.VMEM((G,), jnp.float32),
            pltpu.VMEM((NPAD // 16,), jnp.float32),
            pltpu.SemaphoreType.DMA((2,)),
            pltpu.SemaphoreType.DMA((2,)),
            pltpu.SemaphoreType.DMA((2,)),
            pltpu.SemaphoreType.DMA,
        ],
    )
    def body(x_hbm, src_hbm, dst_hbm, ty_hbm, s_out, c_out,
             acc_sh, cnt_sh, win_src, win_dst, win_ty,
             cbuf_src, cbuf_dst, stage_src, stage_dst, rows, ones, zvec,
             gsem, wsem, ssem, zsem):
        c = lax.axis_index("c")
        s = lax.axis_index("s")
        rpt = NPAD // 16

        zeros16 = jnp.zeros((16,), jnp.float32)
        ones16 = jnp.ones((16,), jnp.float32)

        def init_ones(i, carry):
            ones[pl.ds(i * 16, 16)] = ones16
            return carry
        lax.fori_loop(0, G // 16, init_ones, 0)

        def init_zvec(i, carry):
            zvec[pl.ds(i * 16, 16)] = zeros16
            return carry
        lax.fori_loop(0, rpt // 16, init_zvec, 0)

        dummy_src = jnp.broadcast_to(s * (n_nodes // 16), (16,)).astype(jnp.int32)
        dummy_dst = jnp.broadcast_to(n_nodes + s * 8, (16,)).astype(jnp.int32)

        def win_load(w):
            wb = lax.rem(w, 2)
            ebase = s * e_per_tile + w * W_EDGES
            pltpu.async_copy(src_hbm.at[pl.ds(ebase, W_EDGES)],
                             win_src.at[wb], wsem.at[wb])
            pltpu.async_copy(dst_hbm.at[pl.ds(ebase, W_EDGES)],
                             win_dst.at[wb], wsem.at[wb])
            pltpu.async_copy(ty_hbm.at[pl.ds(ebase, W_EDGES)],
                             win_ty.at[wb], wsem.at[wb])

        def win_wait(w):
            wb = lax.rem(w, 2)
            ebase = s * e_per_tile + w * W_EDGES
            pltpu.make_async_copy(src_hbm.at[pl.ds(ebase, W_EDGES)],
                                  win_src.at[wb], wsem.at[wb]).wait()
            pltpu.make_async_copy(dst_hbm.at[pl.ds(ebase, W_EDGES)],
                                  win_dst.at[wb], wsem.at[wb]).wait()
            pltpu.make_async_copy(ty_hbm.at[pl.ds(ebase, W_EDGES)],
                                  win_ty.at[wb], wsem.at[wb]).wait()

        def drain_scatter(p):
            pltpu.make_async_copy(rows.at[p], acc_sh.at[stage_dst.at[p]],
                                  ssem.at[p]).wait()
            pltpu.make_async_copy(ones, cnt_sh.at[stage_dst.at[p]],
                                  ssem.at[p]).wait()

        def issue(fb, fc):
            p = lax.rem(fc, 2)

            @pl.when(fc >= 2)
            def _():
                drain_scatter(p)
            fb = pl.multiple_of(fb, G)

            def stg(k, carry2):
                stage_src[p, pl.ds(k * 16, 16)] = (
                    cbuf_src[pl.ds(fb + k * 16, 16)])
                stage_dst[p, pl.ds(k * 16, 16)] = (
                    cbuf_dst[pl.ds(fb + k * 16, 16)])
                return carry2
            lax.fori_loop(0, G // 16, stg, 0)
            pltpu.async_copy(x_hbm.at[stage_src.at[p]], rows.at[p],
                             gsem.at[p])

        def complete(fc):
            p = lax.rem(fc, 2)
            pltpu.make_async_copy(x_hbm.at[stage_src.at[p]], rows.at[p],
                                  gsem.at[p]).wait()
            pltpu.async_copy(rows.at[p], acc_sh.at[stage_dst.at[p]],
                             ssem.at[p], add=True)
            pltpu.async_copy(ones, cnt_sh.at[stage_dst.at[p]],
                             ssem.at[p], add=True)

        def per_unit(it, carry):
            is_split = it == 3
            t = jnp.where(is_split, 3, c * 4 + it)
            t16 = jnp.broadcast_to(t, (16,)).astype(jnp.int32)
            row_lo = jnp.where(is_split & (c == 1), HALF, 0)
            row_hi = jnp.where(is_split & (c == 0), HALF, NPAD)
            lo16 = jnp.broadcast_to(row_lo, (16,)).astype(jnp.int32)
            hi16 = jnp.broadcast_to(row_hi, (16,)).astype(jnp.int32)
            own = (s * rpt >= row_lo) & (s * rpt < row_hi)

            def zero_rows(r, carry2):
                for k in range(D // 16):
                    rows[0, r, pl.ds(k * 16, 16)] = zeros16
                return carry2
            lax.fori_loop(0, G, zero_rows, 0)

            @pl.when(own)
            def _():
                for k in range(rpt // G):
                    pltpu.async_copy(rows.at[0],
                                     acc_sh.at[pl.ds(s * rpt + k * G, G)],
                                     zsem)
                pltpu.async_copy(zvec, cnt_sh.at[pl.ds(s * rpt, rpt)], zsem)
                for k in range(rpt // G):
                    pltpu.make_async_copy(
                        rows.at[0], acc_sh.at[pl.ds(s * rpt + k * G, G)],
                        zsem).wait()
                pltpu.make_async_copy(zvec, cnt_sh.at[pl.ds(s * rpt, rpt)],
                                      zsem).wait()
            plsc.subcore_barrier()

            win_load(jnp.int32(0))

            def per_window(w, state):
                off, fc = state

                @pl.when(w + 1 < num_windows)
                def _():
                    win_load(w + 1)
                win_wait(w)
                wb = lax.rem(w, 2)

                def per_vreg(i, off):
                    for u in range(4):
                        sl = pl.ds(i * 64 + u * 16, 16)
                        tv = win_ty[wb, sl]
                        sv = win_src[wb, sl]
                        dv = win_dst[wb, sl]
                        m = (tv == t16) & (dv >= lo16) & (dv < hi16)
                        plsc.store_compressed(cbuf_src.at[pl.ds(off, 16)],
                                              sv, mask=m)
                        plsc.store_compressed(cbuf_dst.at[pl.ds(off, 16)],
                                              dv, mask=m)
                        pc = plsc.all_reduce_population_count(m)
                        off = off + pc[0]
                    return off
                off = lax.fori_loop(0, W_EDGES // 64, per_vreg, off)

                def fire_body(state2):
                    fb, fc2 = state2
                    issue(fb, fc2)

                    @pl.when(fc2 >= 1)
                    def _():
                        complete(fc2 - 1)
                    return (fb + G, fc2 + 1)
                fb, fc = lax.while_loop(
                    lambda st: off - st[0] >= G, fire_body,
                    (jnp.int32(0), fc))

                fb = pl.multiple_of(fb, G)

                def wrap_j(j, carry2):
                    sv = cbuf_src[pl.ds(fb + j * 16, 16)]
                    dv = cbuf_dst[pl.ds(fb + j * 16, 16)]
                    cbuf_src[pl.ds(j * 16, 16)] = sv
                    cbuf_dst[pl.ds(j * 16, 16)] = dv
                    return carry2
                lax.fori_loop(0, G // 16, wrap_j, 0)
                return (off - fb, fc)
            off, fc = lax.fori_loop(
                0, num_windows, per_window,
                (jnp.int32(0), jnp.int32(0)))

            def pad_j(j, carry2):
                cbuf_src[pl.ds(off + j * 16, 16)] = dummy_src
                cbuf_dst[pl.ds(off + j * 16, 16)] = dummy_dst
                return carry2
            lax.fori_loop(0, G // 16, pad_j, 0)

            issue(jnp.int32(0), fc)
            fc = fc + 1

            @pl.when(fc >= 2)
            def _():
                complete(fc - 2)
            complete(fc - 1)

            @pl.when(fc >= 2)
            def _():
                drain_scatter(lax.rem(fc, 2))
            drain_scatter(lax.rem(fc - 1, 2))

            plsc.subcore_barrier()

            @pl.when(own)
            def _():
                for k in range(rpt // G):
                    pltpu.async_copy(
                        acc_sh.at[pl.ds(s * rpt + k * G, G)],
                        s_out.at[t, pl.ds(s * rpt + k * G, G)], zsem)
                pltpu.async_copy(cnt_sh.at[pl.ds(s * rpt, rpt)],
                                 c_out.at[t, pl.ds(s * rpt, rpt)], zsem)
                for k in range(rpt // G):
                    pltpu.make_async_copy(
                        acc_sh.at[pl.ds(s * rpt + k * G, G)],
                        s_out.at[t, pl.ds(s * rpt + k * G, G)], zsem).wait()
                pltpu.make_async_copy(cnt_sh.at[pl.ds(s * rpt, rpt)],
                                      c_out.at[t, pl.ds(s * rpt, rpt)],
                                      zsem).wait()
            return carry

        lax.fori_loop(0, 4, per_unit, 0)

    return body(x, src, dst, ty)


def _tc_dense(S, C3, Wt, b2, n_rows):
    blk = 1000
    grid = n_rows // blk

    def body(s_ref, c_ref, w_ref, b_ref, o_ref):
        acc = jnp.zeros((blk, D), jnp.float32)
        for t in range(N_TYPES):
            y = jnp.dot(s_ref[t].astype(jnp.bfloat16), w_ref[t],
                        preferred_element_type=jnp.float32)
            cnt = jnp.maximum(c_ref[t], 1.0)
            y = y / cnt + b_ref[t]
            acc = acc + jnp.maximum(y, 0.0)
        o_ref[...] = acc * (1.0 / N_TYPES)

    return pl.pallas_call(
        body,
        grid=(grid,),
        in_specs=[
            pl.BlockSpec((N_TYPES, blk, D), lambda i: (0, i, 0)),
            pl.BlockSpec((N_TYPES, blk, 1), lambda i: (0, i, 0)),
            pl.BlockSpec((N_TYPES, D, D), lambda i: (0, 0, 0)),
            pl.BlockSpec((N_TYPES, 1, D), lambda i: (0, 0, 0)),
        ],
        out_specs=pl.BlockSpec((blk, D), lambda i: (i, 0)),
        out_shape=jax.ShapeDtypeStruct((n_rows, D), jnp.float32),
    )(S, C3, Wt, b2)


def kernel(x, edge_index, edge_types, W, b):
    n, d = x.shape
    e = edge_index.shape[1]
    src = edge_index[0].astype(jnp.int32)
    dst = edge_index[1].astype(jnp.int32)
    ty = edge_types.astype(jnp.int32)

    chunk = 16 * W_EDGES
    e_pad = ((e + chunk - 1) // chunk) * chunk
    if e_pad != e:
        pad = e_pad - e
        src = jnp.concatenate([src, jnp.zeros((pad,), jnp.int32)])
        dst = jnp.concatenate([dst, jnp.zeros((pad,), jnp.int32)])
        ty = jnp.concatenate([ty, jnp.full((pad,), -1, jnp.int32)])

    S, C = _sc_segment_sums(x, src, dst, ty, n, e_pad // 16)
    return _tc_dense(S, C.reshape(N_TYPES, NPAD, 1),
                     W.astype(jnp.bfloat16),
                     b.astype(jnp.float32).reshape(N_TYPES, 1, D), n)

# --- scband reference (transcript-rebuilt; emitter-appended) ---
"""Pipeline reference for scband-switch-gnn-77378130804784 (READ-ONLY COPY).

The authoritative reference and input builder live on the scoring server;
editing this copy changes nothing except your own understanding.
"""

import jax, jax.numpy as jnp
import numpy as np

N_NODES = 10000
N_EDGES = 320000
D = 128
N_TYPES = 7

def setup_inputs(seed: int = 0) -> dict:
    key = jax.random.key(seed)
    k1, k2, k3, k4, k5 = jax.random.split(key, 5)
    x = jax.random.normal(k1, (N_NODES, D), dtype=jnp.float32)
    edge_index = jax.random.randint(k2, (2, N_EDGES), 0, N_NODES, dtype=jnp.int64)
    edge_types = jax.random.randint(k3, (N_EDGES,), 0, N_TYPES, dtype=jnp.int64)
    # Per-type GNN weights (SwitchModule holds one GNN per edge type)
    W = jax.random.normal(k4, (N_TYPES, D, D), dtype=jnp.float32) * (1.0 / np.sqrt(D))
    b = jnp.zeros((N_TYPES, D), dtype=jnp.float32)
    return {"x": x, "edge_index": edge_index, "edge_types": edge_types, "W": W, "b": b}

def reference(x, edge_index, edge_types, W, b):
    # SwitchGNN: run each edge type's edge set through its own GNN
    # (mean-aggregation message passing + linear + relu), then average
    # the per-type node messages (use_edge_summariser=False,
    # include_global=False).
    src = edge_index[0]
    dst = edge_index[1]
    msgs = jnp.take(x, src, axis=0)  # gather source node features [E, D]
    n = x.shape[0]
    type_messages = []
    for t in range(N_TYPES):
        mask = (edge_types == t).astype(x.dtype)[:, None]  # [E, 1]
        agg = jax.ops.segment_sum(msgs * mask, dst, num_segments=n)  # scatter-add [N, D]
        cnt = jax.ops.segment_sum(mask, dst, num_segments=n)  # [N, 1]
        agg = agg / jnp.maximum(cnt, 1.0)  # mean aggregation over type-t edges
        out_t = jax.nn.relu(agg @ W[t] + b[t])
        type_messages.append(out_t)
    x_agg = sum(type_messages) / len(type_messages)
    return x_agg

if __name__ == "__main__":
    import jax
    _d = setup_inputs()
    print(jax.jit(kernel)(*tuple(_d.values())))

</pallas_src>

<mosaic_0001>
#map = affine_map<(d0, d1) -> (0, 0)>
#map1 = affine_map<(d0, d1) -> (0)>
#map2 = affine_map<(d0, d1) -> (0, 0, 0)>
module attributes {stable_mosaic.version = 14 : i64} {
  func.func @body(%arg0: i32, %arg1: i32, %arg2: memref<10000x128xf32, #tpu.memory_space<hbm>>, %arg3: memref<327680xi32, #tpu.memory_space<hbm>>, %arg4: memref<327680xi32, #tpu.memory_space<hbm>>, %arg5: memref<327680xi32, #tpu.memory_space<hbm>>, %arg6: memref<7x10240x128xf32, #tpu.memory_space<hbm>>, %arg7: memref<7x10240xf32, #tpu.memory_space<hbm>>, %arg8: memref<10240x128xf32, #tpu.memory_space<vmem_shared>>, %arg9: memref<10240xf32, #tpu.memory_space<vmem_shared>>, %arg10: memref<2x1024xi32, #tpu.memory_space<vmem>>, %arg11: memref<2x1024xi32, #tpu.memory_space<vmem>>, %arg12: memref<2x1024xi32, #tpu.memory_space<vmem>>, %arg13: memref<1168xi32, #tpu.memory_space<vmem>>, %arg14: memref<1168xi32, #tpu.memory_space<vmem>>, %arg15: memref<2x128xi32, #tpu.memory_space<vmem>>, %arg16: memref<2x128xi32, #tpu.memory_space<vmem>>, %arg17: memref<2x128x128xf32, #tpu.memory_space<vmem>>, %arg18: memref<128xf32, #tpu.memory_space<vmem>>, %arg19: memref<640xf32, #tpu.memory_space<vmem>>, %arg20: memref<2x!tpu.dma_semaphore, #tpu.memory_space<semaphore_mem>>, %arg21: memref<2x!tpu.dma_semaphore, #tpu.memory_space<semaphore_mem>>, %arg22: memref<2x!tpu.dma_semaphore, #tpu.memory_space<semaphore_mem>>, %arg23: memref<!tpu.dma_semaphore, #tpu.memory_space<semaphore_mem>>) attributes {dimension_semantics = [#tpu.dimension_semantics<core_parallel>, #tpu.dimension_semantics<subcore_parallel>], iteration_bounds = array<i64: 2, 16>, scalar_prefetch = 0 : i64, scratch_operands = 16 : i64, tpu.core_type = #tpu.core_type<sc_vector_subcore>, window_params = [{transform_indices = #map}, {transform_indices = #map1}, {transform_indices = #map1}, {transform_indices = #map1}, {transform_indices = #map2}, {transform_indices = #map}]} {
    %broadcast_in_dim3A = arith.constant 0.000000e+00 : f32
    %broadcast_in_dim3A_0 = vector.broadcast %broadcast_in_dim3A : f32 to vector<16xf32>
    %broadcast_in_dim3A_1 = arith.constant 1.000000e+00 : f32
    %broadcast_in_dim3A_2 = vector.broadcast %broadcast_in_dim3A_1 : f32 to vector<16xf32>
    %scan3A = arith.constant 0 : i32
    %scan3A_3 = arith.constant 0 : i32
    %scan3A_4 = arith.constant 8 : i32
    %scan3A_5 = arith.addi %scan3A_3, %scan3A_4 : i32
    %scan3A_6 = arith.constant 1 : i32
    scf.for %scan3A_26 = %scan3A_3 to %scan3A_5 step %scan3A_6  : i32 {
      %mul3A_27 = arith.constant 16 : i32
      %mul3A_28 = arith.muli %scan3A_26, %mul3A_27 : i32
      %swap3A = arith.index_cast %mul3A_28 : i32 to index
      %swap3A_29 = tpu.vector_load %arg18[%swap3A] {strides = array<i32>} : memref<128xf32, #tpu.memory_space<vmem>>, vector<16xf32>,
      tpu.vector_store %arg18[%swap3A], %broadcast_in_dim3A_2 {strides = array<i32>} : memref<128xf32, #tpu.memory_space<vmem>>, vector<16xf32>,
    }
    %scan3A_7 = arith.constant 8 : i32
    %scan3A_8 = arith.constant 0 : i32
    %scan3A_9 = arith.constant 0 : i32
    %scan3A_10 = arith.constant 40 : i32
    %scan3A_11 = arith.addi %scan3A_9, %scan3A_10 : i32
    %scan3A_12 = arith.constant 1 : i32
    scf.for %scan3A_26 = %scan3A_9 to %scan3A_11 step %scan3A_12  : i32 {
      %mul3A_27 = arith.constant 16 : i32
      %mul3A_28 = arith.muli %scan3A_26, %mul3A_27 : i32
      %swap3A = arith.index_cast %mul3A_28 : i32 to index
      %swap3A_29 = tpu.vector_load %arg19[%swap3A] {strides = array<i32>} : memref<640xf32, #tpu.memory_space<vmem>>, vector<16xf32>,
      tpu.vector_store %arg19[%swap3A], %broadcast_in_dim3A_0 {strides = array<i32>} : memref<640xf32, #tpu.memory_space<vmem>>, vector<16xf32>,
    }
    %scan3A_13 = arith.constant 40 : i32
    %mul3A = arith.constant 625 : i32
    %mul3A_14 = arith.muli %arg1, %mul3A : i32
    %broadcast_in_dim3A_15 = vector.broadcast %mul3A_14 : i32 to vector<16xi32>
    %mul3A_16 = arith.constant 8 : i32
    %mul3A_17 = arith.muli %arg1, %mul3A_16 : i32
    %add3A = arith.constant 10000 : i32
    %add3A_18 = arith.addi %add3A, %mul3A_17 : i32
    %broadcast_in_dim3A_19 = vector.broadcast %add3A_18 : i32 to vector<16xi32>
    %scan3A_20 = arith.constant 0 : i32
    %scan3A_21 = arith.constant 0 : i32
    %scan3A_22 = arith.constant 4 : i32
    %scan3A_23 = arith.addi %scan3A_21, %scan3A_22 : i32
    %scan3A_24 = arith.constant 1 : i32
    scf.for %scan3A_26 = %scan3A_21 to %scan3A_23 step %scan3A_24  : i32 {
      %eq3A = arith.constant 3 : i32
      %eq3A_27 = arith.cmpi eq, %scan3A_26, %eq3A : i32
      %mul3A_28 = arith.constant 4 : i32
      %mul3A_29 = arith.muli %arg0, %mul3A_28 : i32
      %add3A_30 = arith.addi %mul3A_29, %scan3A_26 : i32
      %jit3A = arith.constant 3 : i32
      %select_n3A = arith.select %eq3A_27, %jit3A, %add3A_30 : i32
      %broadcast_in_dim3A_31 = vector.broadcast %select_n3A : i32 to vector<16xi32>
      %eq3A_32 = arith.constant 1 : i32
      %eq3A_33 = arith.cmpi eq, %arg0, %eq3A_32 : i32
      %and3A = arith.andi %eq3A_27, %eq3A_33 : i1
      %jit3A_34 = arith.constant 5120 : i32
      %jit3A_35 = arith.constant 0 : i32
      %select_n3A_36 = arith.select %and3A, %jit3A_34, %jit3A_35 : i32
      %eq3A_37 = arith.constant 0 : i32
      %eq3A_38 = arith.cmpi eq, %arg0, %eq3A_37 : i32
      %and3A_39 = arith.andi %eq3A_27, %eq3A_38 : i1
      %jit3A_40 = arith.constant 5120 : i32
      %jit3A_41 = arith.constant 10240 : i32
      %select_n3A_42 = arith.select %and3A_39, %jit3A_40, %jit3A_41 : i32
      %broadcast_in_dim3A_43 = vector.broadcast %select_n3A_36 : i32 to vector<16xi32>
      %broadcast_in_dim3A_44 = vector.broadcast %select_n3A_42 : i32 to vector<16xi32>
      %mul3A_45 = arith.constant 640 : i32
      %mul3A_46 = arith.muli %arg1, %mul3A_45 : i32
      %ge3A = arith.cmpi sge, %mul3A_46, %select_n3A_36 : i32
      %mul3A_47 = arith.constant 640 : i32
      %mul3A_48 = arith.muli %arg1, %mul3A_47 : i32
      %lt3A = arith.cmpi slt, %mul3A_48, %select_n3A_42 : i32
      %and3A_49 = arith.andi %ge3A, %lt3A : i1
      %scan3A_50 = arith.constant 0 : i32
      %scan3A_51 = arith.constant 0 : i32
      %scan3A_52 = arith.constant 128 : i32
      %scan3A_53 = arith.addi %scan3A_51, %scan3A_52 : i32
      %scan3A_54 = arith.constant 1 : i32
      scf.for %scan3A_206 = %scan3A_51 to %scan3A_53 step %scan3A_54  : i32 {
        %swap3A = arith.constant 0 : i32
        %swap3A_207 = arith.index_cast %swap3A : i32 to index
        %swap3A_208 = arith.index_cast %scan3A_206 : i32 to index
        %swap3A_209 = arith.constant 0 : index
        %swap3A_210 = tpu.vector_load %arg17[%swap3A_207, %swap3A_208, %swap3A_209] {strides = array<i32>} : memref<2x128x128xf32, #tpu.memory_space<vmem>>, vector<16xf32>,
        tpu.vector_store %arg17[%swap3A_207, %swap3A_208, %swap3A_209], %broadcast_in_dim3A_0 {strides = array<i32>} : memref<2x128x128xf32, #tpu.memory_space<vmem>>, vector<16xf32>,
        %swap3A_211 = arith.constant 0 : i32
        %swap3A_212 = arith.index_cast %swap3A_211 : i32 to index
        %swap3A_213 = arith.index_cast %scan3A_206 : i32 to index
        %swap3A_214 = arith.constant 16 : index
        %swap3A_215 = tpu.vector_load %arg17[%swap3A_212, %swap3A_213, %swap3A_214] {strides = array<i32>} : memref<2x128x128xf32, #tpu.memory_space<vmem>>, vector<16xf32>,
        tpu.vector_store %arg17[%swap3A_212, %swap3A_213, %swap3A_214], %broadcast_in_dim3A_0 {strides = array<i32>} : memref<2x128x128xf32, #tpu.memory_space<vmem>>, vector<16xf32>,
        %swap3A_216 = arith.constant 0 : i32
        %swap3A_217 = arith.index_cast %swap3A_216 : i32 to index
        %swap3A_218 = arith.index_cast %scan3A_206 : i32 to index
        %swap3A_219 = arith.constant 32 : index
        %swap3A_220 = tpu.vector_load %arg17[%swap3A_217, %swap3A_218, %swap3A_219] {strides = array<i32>} : memref<2x128x128xf32, #tpu.memory_space<vmem>>, vector<16xf32>,
        tpu.vector_store %arg17[%swap3A_217, %swap3A_218, %swap3A_219], %broadcast_in_dim3A_0 {strides = array<i32>} : memref<2x128x128xf32, #tpu.memory_space<vmem>>, vector<16xf32>,
        %swap3A_221 = arith.constant 0 : i32
        %swap3A_222 = arith.index_cast %swap3A_221 : i32 to index
        %swap3A_223 = arith.index_cast %scan3A_206 : i32 to index
        %swap3A_224 = arith.constant 48 : index
        %swap3A_225 = tpu.vector_load %arg17[%swap3A_222, %swap3A_223, %swap3A_224] {strides = array<i32>} : memref<2x128x128xf32, #tpu.memory_space<vmem>>, vector<16xf32>,
        tpu.vector_store %arg17[%swap3A_222, %swap3A_223, %swap3A_224], %broadcast_in_dim3A_0 {strides = array<i32>} : memref<2x128x128xf32, #tpu.memory_space<vmem>>, vector<16xf32>,
        %swap3A_226 = arith.constant 0 : i32
        %swap3A_227 = arith.index_cast %swap3A_226 : i32 to index
        %swap3A_228 = arith.index_cast %scan3A_206 : i32 to index
        %swap3A_229 = arith.constant 64 : index
        %swap3A_230 = tpu.vector_load %arg17[%swap3A_227, %swap3A_228, %swap3A_229] {strides = array<i32>} : memref<2x128x128xf32, #tpu.memory_space<vmem>>, vector<16xf32>,
        tpu.vector_store %arg17[%swap3A_227, %swap3A_228, %swap3A_229], %broadcast_in_dim3A_0 {strides = array<i32>} : memref<2x128x128xf32, #tpu.memory_space<vmem>>, vector<16xf32>,
        %swap3A_231 = arith.constant 0 : i32
        %swap3A_232 = arith.index_cast %swap3A_231 : i32 to index
        %swap3A_233 = arith.index_cast %scan3A_206 : i32 to index
        %swap3A_234 = arith.constant 80 : index
        %swap3A_235 = tpu.vector_load %arg17[%swap3A_232, %swap3A_233, %swap3A_234] {strides = array<i32>} : memref<2x128x128xf32, #tpu.memory_space<vmem>>, vector<16xf32>,
        tpu.vector_store %arg17[%swap3A_232, %swap3A_233, %swap3A_234], %broadcast_in_dim3A_0 {strides = array<i32>} : memref<2x128x128xf32, #tpu.memory_space<vmem>>, vector<16xf32>,
        %swap3A_236 = arith.constant 0 : i32
        %swap3A_237 = arith.index_cast %swap3A_236 : i32 to index
        %swap3A_238 = arith.index_cast %scan3A_206 : i32 to index
        %swap3A_239 = arith.constant 96 : index
        %swap3A_240 = tpu.vector_load %arg17[%swap3A_237, %swap3A_238, %swap3A_239] {strides = array<i32>} : memref<2x128x128xf32, #tpu.memory_space<vmem>>, vector<16xf32>,
        tpu.vector_store %arg17[%swap3A_237, %swap3A_238, %swap3A_239], %broadcast_in_dim3A_0 {strides = array<i32>} : memref<2x128x128xf32, #tpu.memory_space<vmem>>, vector<16xf32>,
        %swap3A_241 = arith.constant 0 : i32
        %swap3A_242 = arith.index_cast %swap3A_241 : i32 to index
        %swap3A_243 = arith.index_cast %scan3A_206 : i32 to index
        %swap3A_244 = arith.constant 112 : index
        %swap3A_245 = tpu.vector_load %arg17[%swap3A_242, %swap3A_243, %swap3A_244] {strides = array<i32>} : memref<2x128x128xf32, #tpu.memory_space<vmem>>, vector<16xf32>,
        tpu.vector_store %arg17[%swap3A_242, %swap3A_243, %swap3A_244], %broadcast_in_dim3A_0 {strides = array<i32>} : memref<2x128x128xf32, #tpu.memory_space<vmem>>, vector<16xf32>,
      }
      %scan3A_55 = arith.constant 128 : i32
      %convert_element_type3A = arith.extui %and3A_49 : i1 to i32
      %cond3A = arith.constant 0 : i32
      %cond3A_56 = arith.cmpi ne, %convert_element_type3A, %cond3A : i32
      scf.if %cond3A_56 {
        %mul3A_206 = arith.constant 640 : i32
        %mul3A_207 = arith.muli %arg1, %mul3A_206 : i32
        %add3A_208 = arith.constant 0 : i32
        %add3A_209 = arith.addi %mul3A_207, %add3A_208 : i32
        %dma_start3A_210 = arith.constant 0 : i32
        %dma_start3A_211 = arith.constant 0 : i32
        %dma_start3A_212 = arith.constant 0 : i32
        %dma_start3A_213 = tpu.memref_slice %arg17[%dma_start3A_210, %dma_start3A_211, %dma_start3A_212] : memref<2x128x128xf32, #tpu.memory_space<vmem>> -> memref<1x128x128xf32, #tpu.memory_space<vmem>>
        %dma_start3A_214 = tpu.memref_squeeze %dma_start3A_213 : memref<1x128x128xf32, #tpu.memory_space<vmem>> -> memref<128x128xf32, #tpu.memory_space<vmem>>
        %dma_start3A_215 = arith.constant 0 : i32
        %dma_start3A_216 = tpu.memref_slice %arg8[%add3A_209, %dma_start3A_215] : memref<10240x128xf32, #tpu.memory_space<vmem_shared>> -> memref<128x128xf32, #tpu.memory_space<vmem_shared>>
        %dma_start3A_217 = arith.constant 0 : i32
        %dma_start3A_218 = tpu.memref_slice %arg8[%add3A_209, %dma_start3A_217] : memref<10240x128xf32, #tpu.memory_space<vmem_shared>> -> memref<128x128xf32, #tpu.memory_space<vmem_shared>>
        %dma_start3A_219 = arith.constant 0 : i32
        %dma_start3A_220 = arith.constant 0 : i32
        %dma_start3A_221 = tpu.memref_slice %arg17[%dma_start3A_210, %dma_start3A_219, %dma_start3A_220] : memref<2x128x128xf32, #tpu.memory_space<vmem>> -> memref<1x128x128xf32, #tpu.memory_space<vmem>>
        %dma_start3A_222 = tpu.memref_squeeze %dma_start3A_221 : memref<1x128x128xf32, #tpu.memory_space<vmem>> -> memref<128x128xf32, #tpu.memory_space<vmem>>
        tpu.enqueue_dma source(%dma_start3A_222 : memref<128x128xf32, #tpu.memory_space<vmem>>) target(%dma_start3A_218 : memref<128x128xf32, #tpu.memory_space<vmem_shared>>) target_semaphore(%arg23 : memref<!tpu.dma_semaphore, #tpu.memory_space<semaphore_mem>>)
        %mul3A_223 = arith.constant 640 : i32
        %mul3A_224 = arith.muli %arg1, %mul3A_223 : i32
        %add3A_225 = arith.constant 128 : i32
        %add3A_226 = arith.addi %mul3A_224, %add3A_225 : i32
        %dma_start3A_227 = arith.constant 0 : i32
        %dma_start3A_228 = arith.constant 0 : i32
        %dma_start3A_229 = arith.constant 0 : i32
        %dma_start3A_230 = tpu.memref_slice %arg17[%dma_start3A_227, %dma_start3A_228, %dma_start3A_229] : memref<2x128x128xf32, #tpu.memory_space<vmem>> -> memref<1x128x128xf32, #tpu.memory_space<vmem>>
        %dma_start3A_231 = tpu.memref_squeeze %dma_start3A_230 : memref<1x128x128xf32, #tpu.memory_space<vmem>> -> memref<128x128xf32, #tpu.memory_space<vmem>>
        %dma_start3A_232 = arith.constant 0 : i32
        %dma_start3A_233 = tpu.memref_slice %arg8[%add3A_226, %dma_start3A_232] : memref<10240x128xf32, #tpu.memory_space<vmem_shared>> -> memref<128x128xf32, #tpu.memory_space<vmem_shared>>
        %dma_start3A_234 = arith.constant 0 : i32
        %dma_start3A_235 = tpu.memref_slice %arg8[%add3A_226, %dma_start3A_234] : memref<10240x128xf32, #tpu.memory_space<vmem_shared>> -> memref<128x128xf32, #tpu.memory_space<vmem_shared>>
        %dma_start3A_236 = arith.constant 0 : i32
        %dma_start3A_237 = arith.constant 0 : i32
        %dma_start3A_238 = tpu.memref_slice %arg17[%dma_start3A_227, %dma_start3A_236, %dma_start3A_237] : memref<2x128x128xf32, #tpu.memory_space<vmem>> -> memref<1x128x128xf32, #tpu.memory_space<vmem>>
        %dma_start3A_239 = tpu.memref_squeeze %dma_start3A_238 : memref<1x128x128xf32, #tpu.memory_space<vmem>> -> memref<128x128xf32, #tpu.memory_space<vmem>>
        tpu.enqueue_dma source(%dma_start3A_239 : memref<128x128xf32, #tpu.memory_space<vmem>>) target(%dma_start3A_235 : memref<128x128xf32, #tpu.memory_space<vmem_shared>>) target_semaphore(%arg23 : memref<!tpu.dma_semaphore, #tpu.memory_space<semaphore_mem>>)
        %mul3A_240 = arith.constant 640 : i32
        %mul3A_241 = arith.muli %arg1, %mul3A_240 : i32
        %add3A_242 = arith.constant 256 : i32
        %add3A_243 = arith.addi %mul3A_241, %add3A_242 : i32
        %dma_start3A_244 = arith.constant 0 : i32
        %dma_start3A_245 = arith.constant 0 : i32
        %dma_start3A_246 = arith.constant 0 : i32
        %dma_start3A_247 = tpu.memref_slice %arg17[%dma_start3A_244, %dma_start3A_245, %dma_start3A_246] : memref<2x128x128xf32, #tpu.memory_space<vmem>> -> memref<1x128x128xf32, #tpu.memory_space<vmem>>
        %dma_start3A_248 = tpu.memref_squeeze %dma_start3A_247 : memref<1x128x128xf32, #tpu.memory_space<vmem>> -> memref<128x128xf32, #tpu.memory_space<vmem>>
        %dma_start3A_249 = arith.constant 0 : i32
        %dma_start3A_250 = tpu.memref_slice %arg8[%add3A_243, %dma_start3A_249] : memref<10240x128xf32, #tpu.memory_space<vmem_shared>> -> memref<128x128xf32, #tpu.memory_space<vmem_shared>>
        %dma_start3A_251 = arith.constant 0 : i32
        %dma_start3A_252 = tpu.memref_slice %arg8[%add3A_243, %dma_start3A_251] : memref<10240x128xf32, #tpu.memory_space<vmem_shared>> -> memref<128x128xf32, #tpu.memory_space<vmem_shared>>
        %dma_start3A_253 = arith.constant 0 : i32
        %dma_start3A_254 = arith.constant 0 : i32
        %dma_start3A_255 = tpu.memref_slice %arg17[%dma_start3A_244, %dma_start3A_253, %dma_start3A_254] : memref<2x128x128xf32, #tpu.memory_space<vmem>> -> memref<1x128x128xf32, #tpu.memory_space<vmem>>
        %dma_start3A_256 = tpu.memref_squeeze %dma_start3A_255 : memref<1x128x128xf32, #tpu.memory_space<vmem>> -> memref<128x128xf32, #tpu.memory_space<vmem>>
        tpu.enqueue_dma source(%dma_start3A_256 : memref<128x128xf32, #tpu.memory_space<vmem>>) target(%dma_start3A_252 : memref<128x128xf32, #tpu.memory_space<vmem_shared>>) target_semaphore(%arg23 : memref<!tpu.dma_semaphore, #tpu.memory_space<semaphore_mem>>)
        %mul3A_257 = arith.constant 640 : i32
        %mul3A_258 = arith.muli %arg1, %mul3A_257 : i32
        %add3A_259 = arith.constant 384 : i32
        %add3A_260 = arith.addi %mul3A_258, %add3A_259 : i32
        %dma_start3A_261 = arith.constant 0 : i32
        %dma_start3A_262 = arith.constant 0 : i32
        %dma_start3A_263 = arith.constant 0 : i32
        %dma_start3A_264 = tpu.memref_slice %arg17[%dma_start3A_261, %dma_start3A_262, %dma_start3A_263] : memref<2x128x128xf32, #tpu.memory_space<vmem>> -> memref<1x128x128xf32, #tpu.memory_space<vmem>>
        %dma_start3A_265 = tpu.memref_squeeze %dma_start3A_264 : memref<1x128x128xf32, #tpu.memory_space<vmem>> -> memref<128x128xf32, #tpu.memory_space<vmem>>
        %dma_start3A_266 = arith.constant 0 : i32
        %dma_start3A_267 = tpu.memref_slice %arg8[%add3A_260, %dma_start3A_266] : memref<10240x128xf32, #tpu.memory_space<vmem_shared>> -> memref<128x128xf32, #tpu.memory_space<vmem_shared>>
        %dma_start3A_268 = arith.constant 0 : i32
        %dma_start3A_269 = tpu.memref_slice %arg8[%add3A_260, %dma_start3A_268] : memref<10240x128xf32, #tpu.memory_space<vmem_shared>> -> memref<128x128xf32, #tpu.memory_space<vmem_shared>>
        %dma_start3A_270 = arith.constant 0 : i32
        %dma_start3A_271 = arith.constant 0 : i32
        %dma_start3A_272 = tpu.memref_slice %arg17[%dma_start3A_261, %dma_start3A_270, %dma_start3A_271] : memref<2x128x128xf32, #tpu.memory_space<vmem>> -> memref<1x128x128xf32, #tpu.memory_space<vmem>>
        %dma_start3A_273 = tpu.memref_squeeze %dma_start3A_272 : memref<1x128x128xf32, #tpu.memory_space<vmem>> -> memref<128x128xf32, #tpu.memory_space<vmem>>
        tpu.enqueue_dma source(%dma_start3A_273 : memref<128x128xf32, #tpu.memory_space<vmem>>) target(%dma_start3A_269 : memref<128x128xf32, #tpu.memory_space<vmem_shared>>) target_semaphore(%arg23 : memref<!tpu.dma_semaphore, #tpu.memory_space<semaphore_mem>>)
        %mul3A_274 = arith.constant 640 : i32
        %mul3A_275 = arith.muli %arg1, %mul3A_274 : i32
        %add3A_276 = arith.constant 512 : i32
        %add3A_277 = arith.addi %mul3A_275, %add3A_276 : i32
        %dma_start3A_278 = arith.constant 0 : i32
        %dma_start3A_279 = arith.constant 0 : i32
        %dma_start3A_280 = arith.constant 0 : i32
        %dma_start3A_281 = tpu.memref_slice %arg17[%dma_start3A_278, %dma_start3A_279, %dma_start3A_280] : memref<2x128x128xf32, #tpu.memory_space<vmem>> -> memref<1x128x128xf32, #tpu.memory_space<vmem>>
        %dma_start3A_282 = tpu.memref_squeeze %dma_start3A_281 : memref<1x128x128xf32, #tpu.memory_space<vmem>> -> memref<128x128xf32, #tpu.memory_space<vmem>>
        %dma_start3A_283 = arith.constant 0 : i32
        %dma_start3A_284 = tpu.memref_slice %arg8[%add3A_277, %dma_start3A_283] : memref<10240x128xf32, #tpu.memory_space<vmem_shared>> -> memref<128x128xf32, #tpu.memory_space<vmem_shared>>
        %dma_start3A_285 = arith.constant 0 : i32
        %dma_start3A_286 = tpu.memref_slice %arg8[%add3A_277, %dma_start3A_285] : memref<10240x128xf32, #tpu.memory_space<vmem_shared>> -> memref<128x128xf32, #tpu.memory_space<vmem_shared>>
        %dma_start3A_287 = arith.constant 0 : i32
        %dma_start3A_288 = arith.constant 0 : i32
        %dma_start3A_289 = tpu.memref_slice %arg17[%dma_start3A_278, %dma_start3A_287, %dma_start3A_288] : memref<2x128x128xf32, #tpu.memory_space<vmem>> -> memref<1x128x128xf32, #tpu.memory_space<vmem>>
        %dma_start3A_290 = tpu.memref_squeeze %dma_start3A_289 : memref<1x128x128xf32, #tpu.memory_space<vmem>> -> memref<128x128xf32, #tpu.memory_space<vmem>>
        tpu.enqueue_dma source(%dma_start3A_290 : memref<128x128xf32, #tpu.memory_space<vmem>>) target(%dma_start3A_286 : memref<128x128xf32, #tpu.memory_space<vmem_shared>>) target_semaphore(%arg23 : memref<!tpu.dma_semaphore, #tpu.memory_space<semaphore_mem>>)
        %mul3A_291 = arith.constant 640 : i32
        %mul3A_292 = arith.muli %arg1, %mul3A_291 : i32
        %dma_start3A_293 = tpu.memref_slice %arg9[%mul3A_292] : memref<10240xf32, #tpu.memory_space<vmem_shared>> -> memref<640xf32, #tpu.memory_space<vmem_shared>>
        %dma_start3A_294 = tpu.memref_slice %arg9[%mul3A_292] : memref<10240xf32, #tpu.memory_space<vmem_shared>> -> memref<640xf32, #tpu.memory_space<vmem_shared>>
        tpu.enqueue_dma source(%arg19 : memref<640xf32, #tpu.memory_space<vmem>>) target(%dma_start3A_294 : memref<640xf32, #tpu.memory_space<vmem_shared>>) target_semaphore(%arg23 : memref<!tpu.dma_semaphore, #tpu.memory_space<semaphore_mem>>)
        %mul3A_295 = arith.constant 640 : i32
        %mul3A_296 = arith.muli %arg1, %mul3A_295 : i32
        %add3A_297 = arith.constant 0 : i32
        %add3A_298 = arith.addi %mul3A_296, %add3A_297 : i32
        %dma_wait3A_299 = arith.constant 0 : i32
        %dma_wait3A_300 = arith.constant 0 : i32
        %dma_wait3A_301 = arith.constant 0 : i32
        %dma_wait3A_302 = tpu.memref_slice %arg17[%dma_wait3A_299, %dma_wait3A_300, %dma_wait3A_301] : memref<2x128x128xf32, #tpu.memory_space<vmem>> -> memref<1x128x128xf32, #tpu.memory_space<vmem>>
        %dma_wait3A_303 = tpu.memref_squeeze %dma_wait3A_302 : memref<1x128x128xf32, #tpu.memory_space<vmem>> -> memref<128x128xf32, #tpu.memory_space<vmem>>
        %dma_wait3A_304 = arith.constant 0 : i32
        %dma_wait3A_305 = tpu.memref_slice %arg8[%add3A_298, %dma_wait3A_304] : memref<10240x128xf32, #tpu.memory_space<vmem_shared>> -> memref<128x128xf32, #tpu.memory_space<vmem_shared>>
        %dma_wait3A_306 = arith.constant 0 : i32
        %dma_wait3A_307 = tpu.memref_slice %arg8[%add3A_298, %dma_wait3A_306] : memref<10240x128xf32, #tpu.memory_space<vmem_shared>> -> memref<128x128xf32, #tpu.memory_space<vmem_shared>>
        %dma_wait3A_308 = arith.constant 0 : i32
        %dma_wait3A_309 = arith.constant 0 : i32
        %dma_wait3A_310 = tpu.memref_slice %arg17[%dma_wait3A_299, %dma_wait3A_308, %dma_wait3A_309] : memref<2x128x128xf32, #tpu.memory_space<vmem>> -> memref<1x128x128xf32, #tpu.memory_space<vmem>>
        %dma_wait3A_311 = tpu.memref_squeeze %dma_wait3A_310 : memref<1x128x128xf32, #tpu.memory_space<vmem>> -> memref<128x128xf32, #tpu.memory_space<vmem>>
        tpu.wait_dma2 semaphore(%arg23 : memref<!tpu.dma_semaphore, #tpu.memory_space<semaphore_mem>>) src(%dma_wait3A_311 : memref<128x128xf32, #tpu.memory_space<vmem>>) dst(%dma_wait3A_307 : memref<128x128xf32, #tpu.memory_space<vmem_shared>>)
        %mul3A_312 = arith.constant 640 : i32
        %mul3A_313 = arith.muli %arg1, %mul3A_312 : i32
        %add3A_314 = arith.constant 128 : i32
        %add3A_315 = arith.addi %mul3A_313, %add3A_314 : i32
        %dma_wait3A_316 = arith.constant 0 : i32
        %dma_wait3A_317 = arith.constant 0 : i32
        %dma_wait3A_318 = arith.constant 0 : i32
        %dma_wait3A_319 = tpu.memref_slice %arg17[%dma_wait3A_316, %dma_wait3A_317, %dma_wait3A_318] : memref<2x128x128xf32, #tpu.memory_space<vmem>> -> memref<1x128x128xf32, #tpu.memory_space<vmem>>
        %dma_wait3A_320 = tpu.memref_squeeze %dma_wait3A_319 : memref<1x128x128xf32, #tpu.memory_space<vmem>> -> memref<128x128xf32, #tpu.memory_space<vmem>>
        %dma_wait3A_321 = arith.constant 0 : i32
        %dma_wait3A_322 = tpu.memref_slice %arg8[%add3A_315, %dma_wait3A_321] : memref<10240x128xf32, #tpu.memory_space<vmem_shared>> -> memref<128x128xf32, #tpu.memory_space<vmem_shared>>
        %dma_wait3A_323 = arith.constant 0 : i32
        %dma_wait3A_324 = tpu.memref_slice %arg8[%add3A_315, %dma_wait3A_323] : memref<10240x128xf32, #tpu.memory_space<vmem_shared>> -> memref<128x128xf32, #tpu.memory_space<vmem_shared>>
        %dma_wait3A_325 = arith.constant 0 : i32
        %dma_wait3A_326 = arith.constant 0 : i32
        %dma_wait3A_327 = tpu.memref_slice %arg17[%dma_wait3A_316, %dma_wait3A_325, %dma_wait3A_326] : memref<2x128x128xf32, #tpu.memory_space<vmem>> -> memref<1x128x128xf32, #tpu.memory_space<vmem>>
        %dma_wait3A_328 = tpu.memref_squeeze %dma_wait3A_327 : memref<1x128x128xf32, #tpu.memory_space<vmem>> -> memref<128x128xf32, #tpu.memory_space<vmem>>
        tpu.wait_dma2 semaphore(%arg23 : memref<!tpu.dma_semaphore, #tpu.memory_space<semaphore_mem>>) src(%dma_wait3A_328 : memref<128x128xf32, #tpu.memory_space<vmem>>) dst(%dma_wait3A_324 : memref<128x128xf32, #tpu.memory_space<vmem_shared>>)
        %mul3A_329 = arith.constant 640 : i32
        %mul3A_330 = arith.muli %arg1, %mul3A_329 : i32
        %add3A_331 = arith.constant 256 : i32
        %add3A_332 = arith.addi %mul3A_330, %add3A_331 : i32
        %dma_wait3A_333 = arith.constant 0 : i32
        %dma_wait3A_334 = arith.constant 0 : i32
        %dma_wait3A_335 = arith.constant 0 : i32
        %dma_wait3A_336 = tpu.memref_slice %arg17[%dma_wait3A_333, %dma_wait3A_334, %dma_wait3A_335] : memref<2x128x128xf32, #tpu.memory_space<vmem>> -> memref<1x128x128xf32, #tpu.memory_space<vmem>>
        %dma_wait3A_337 = tpu.memref_squeeze %dma_wait3A_336 : memref<1x128x128xf32, #tpu.memory_space<vmem>> -> memref<128x128xf32, #tpu.memory_space<vmem>>
        %dma_wait3A_338 = arith.constant 0 : i32
        %dma_wait3A_339 = tpu.memref_slice %arg8[%add3A_332, %dma_wait3A_338] : memref<10240x128xf32, #tpu.memory_space<vmem_shared>> -> memref<128x128xf32, #tpu.memory_space<vmem_shared>>
        %dma_wait3A_340 = arith.constant 0 : i32
        %dma_wait3A_341 = tpu.memref_slice %arg8[%add3A_332, %dma_wait3A_340] : memref<10240x128xf32, #tpu.memory_space<vmem_shared>> -> memref<128x128xf32, #tpu.memory_space<vmem_shared>>
        %dma_wait3A_342 = arith.constant 0 : i32
        %dma_wait3A_343 = arith.constant 0 : i32
        %dma_wait3A_344 = tpu.memref_slice %arg17[%dma_wait3A_333, %dma_wait3A_342, %dma_wait3A_343] : memref<2x128x128xf32, #tpu.memory_space<vmem>> -> memref<1x128x128xf32, #tpu.memory_space<vmem>>
        %dma_wait3A_345 = tpu.memref_squeeze %dma_wait3A_344 : memref<1x128x128xf32, #tpu.memory_space<vmem>> -> memref<128x128xf32, #tpu.memory_space<vmem>>
        tpu.wait_dma2 semaphore(%arg23 : memref<!tpu.dma_semaphore, #tpu.memory_space<semaphore_mem>>) src(%dma_wait3A_345 : memref<128x128xf32, #tpu.memory_space<vmem>>) dst(%dma_wait3A_341 : memref<128x128xf32, #tpu.memory_space<vmem_shared>>)
        %mul3A_346 = arith.constant 640 : i32
        %mul3A_347 = arith.muli %arg1, %mul3A_346 : i32
        %add3A_348 = arith.constant 384 : i32
        %add3A_349 = arith.addi %mul3A_347, %add3A_348 : i32
        %dma_wait3A_350 = arith.constant 0 : i32
        %dma_wait3A_351 = arith.constant 0 : i32
        %dma_wait3A_352 = arith.constant 0 : i32
        %dma_wait3A_353 = tpu.memref_slice %arg17[%dma_wait3A_350, %dma_wait3A_351, %dma_wait3A_352] : memref<2x128x128xf32, #tpu.memory_space<vmem>> -> memref<1x128x128xf32, #tpu.memory_space<vmem>>
        %dma_wait3A_354 = tpu.memref_squeeze %dma_wait3A_353 : memref<1x128x128xf32, #tpu.memory_space<vmem>> -> memref<128x128xf32, #tpu.memory_space<vmem>>
        %dma_wait3A_355 = arith.constant 0 : i32
        %dma_wait3A_356 = tpu.memref_slice %arg8[%add3A_349, %dma_wait3A_355] : memref<10240x128xf32, #tpu.memory_space<vmem_shared>> -> memref<128x128xf32, #tpu.memory_space<vmem_shared>>
        %dma_wait3A_357 = arith.constant 0 : i32
        %dma_wait3A_358 = tpu.memref_slice %arg8[%add3A_349, %dma_wait3A_357] : memref<10240x128xf32, #tpu.memory_space<vmem_shared>> -> memref<128x128xf32, #tpu.memory_space<vmem_shared>>
        %dma_wait3A_359 = arith.constant 0 : i32
        %dma_wait3A_360 = arith.constant 0 : i32
        %dma_wait3A_361 = tpu.memref_slice %arg17[%dma_wait3A_350, %dma_wait3A_359, %dma_wait3A_360] : memref<2x128x128xf32, #tpu.memory_space<vmem>> -> memref<1x128x128xf32, #tpu.memory_space<vmem>>
        %dma_wait3A_362 = tpu.memref_squeeze %dma_wait3A_361 : memref<1x128x128xf32, #tpu.memory_space<vmem>> -> memref<128x128xf32, #tpu.memory_space<vmem>>
        tpu.wait_dma2 semaphore(%arg23 : memref<!tpu.dma_semaphore, #tpu.memory_space<semaphore_mem>>) src(%dma_wait3A_362 : memref<128x128xf32, #tpu.memory_space<vmem>>) dst(%dma_wait3A_358 : memref<128x128xf32, #tpu.memory_space<vmem_shared>>)
        %mul3A_363 = arith.constant 640 : i32
        %mul3A_364 = arith.muli %arg1, %mul3A_363 : i32
        %add3A_365 = arith.constant 512 : i32
        %add3A_366 = arith.addi %mul3A_364, %add3A_365 : i32
        %dma_wait3A_367 = arith.constant 0 : i32
        %dma_wait3A_368 = arith.constant 0 : i32
        %dma_wait3A_369 = arith.constant 0 : i32
        %dma_wait3A_370 = tpu.memref_slice %arg17[%dma_wait3A_367, %dma_wait3A_368, %dma_wait3A_369] : memref<2x128x128xf32, #tpu.memory_space<vmem>> -> memref<1x128x128xf32, #tpu.memory_space<vmem>>
        %dma_wait3A_371 = tpu.memref_squeeze %dma_wait3A_370 : memref<1x128x128xf32, #tpu.memory_space<vmem>> -> memref<128x128xf32, #tpu.memory_space<vmem>>
        %dma_wait3A_372 = arith.constant 0 : i32
        %dma_wait3A_373 = tpu.memref_slice %arg8[%add3A_366, %dma_wait3A_372] : memref<10240x128xf32, #tpu.memory_space<vmem_shared>> -> memref<128x128xf32, #tpu.memory_space<vmem_shared>>
        %dma_wait3A_374 = arith.constant 0 : i32
        %dma_wait3A_375 = tpu.memref_slice %arg8[%add3A_366, %dma_wait3A_374] : memref<10240x128xf32, #tpu.memory_space<vmem_shared>> -> memref<128x128xf32, #tpu.memory_space<vmem_shared>>
        %dma_wait3A_376 = arith.constant 0 : i32
        %dma_wait3A_377 = arith.constant 0 : i32
        %dma_wait3A_378 = tpu.memref_slice %arg17[%dma_wait3A_367, %dma_wait3A_376, %dma_wait3A_377] : memref<2x128x128xf32, #tpu.memory_space<vmem>> -> memref<1x128x128xf32, #tpu.memory_space<vmem>>
        %dma_wait3A_379 = tpu.memref_squeeze %dma_wait3A_378 : memref<1x128x128xf32, #tpu.memory_space<vmem>> -> memref<128x128xf32, #tpu.memory_space<vmem>>
        tpu.wait_dma2 semaphore(%arg23 : memref<!tpu.dma_semaphore, #tpu.memory_space<semaphore_mem>>) src(%dma_wait3A_379 : memref<128x128xf32, #tpu.memory_space<vmem>>) dst(%dma_wait3A_375 : memref<128x128xf32, #tpu.memory_space<vmem_shared>>)
        %mul3A_380 = arith.constant 640 : i32
        %mul3A_381 = arith.muli %arg1, %mul3A_380 : i32
        %dma_wait3A_382 = tpu.memref_slice %arg9[%mul3A_381] : memref<10240xf32, #tpu.memory_space<vmem_shared>> -> memref<640xf32, #tpu.memory_space<vmem_shared>>
        %dma_wait3A_383 = tpu.memref_slice %arg9[%mul3A_381] : memref<10240xf32, #tpu.memory_space<vmem_shared>> -> memref<640xf32, #tpu.memory_space<vmem_shared>>
        tpu.wait_dma2 semaphore(%arg23 : memref<!tpu.dma_semaphore, #tpu.memory_space<semaphore_mem>>) src(%arg19 : memref<640xf32, #tpu.memory_space<vmem>>) dst(%dma_wait3A_383 : memref<640xf32, #tpu.memory_space<vmem_shared>>)
      } else {
      }
      %barrier3A = arith.constant 0 : index
      tpu.barrier barrier_id(%barrier3A)
      %rem3A = arith.constant 0 : i32
      %rem3A_57 = arith.constant 2 : i32
      %rem3A_58 = arith.remsi %rem3A, %rem3A_57 : i32
      %mul3A_59 = arith.constant 20480 : i32
      %mul3A_60 = arith.muli %arg1, %mul3A_59 : i32
      %mul3A_61 = arith.constant 0 : i32
      %mul3A_62 = arith.constant 1024 : i32
      %mul3A_63 = arith.muli %mul3A_61, %mul3A_62 : i32
      %add3A_64 = arith.addi %mul3A_60, %mul3A_63 : i32
      %dma_start3A = arith.constant 0 : i32
      %dma_start3A_65 = tpu.memref_slice %arg10[%rem3A_58, %dma_start3A] : memref<2x1024xi32, #tpu.memory_space<vmem>> -> memref<1x1024xi32, #tpu.memory_space<vmem>>
      %dma_start3A_66 = tpu.memref_squeeze %dma_start3A_65 : memref<1x1024xi32, #tpu.memory_space<vmem>> -> memref<1024xi32, #tpu.memory_space<vmem>>
      %dma_start3A_67 = tpu.memref_slice %arg3[%add3A_64] : memref<327680xi32, #tpu.memory_space<hbm>> -> memref<1024xi32, #tpu.memory_space<hbm>>
      %dma_start3A_68 = tpu.memref_slice %arg21[%rem3A_58] : memref<2x!tpu.dma_semaphore, #tpu.memory_space<semaphore_mem>> -> memref<1x!tpu.dma_semaphore, #tpu.memory_space<semaphore_mem>>
      %dma_start3A_69 = tpu.memref_squeeze %dma_start3A_68 : memref<1x!tpu.dma_semaphore, #tpu.memory_space<semaphore_mem>> -> memref<!tpu.dma_semaphore, #tpu.memory_space<semaphore_mem>>
      %dma_start3A_70 = arith.constant 0 : i32
      %dma_start3A_71 = tpu.memref_slice %arg10[%rem3A_58, %dma_start3A_70] : memref<2x1024xi32, #tpu.memory_space<vmem>> -> memref<1x1024xi32, #tpu.memory_space<vmem>>
      %dma_start3A_72 = tpu.memref_squeeze %dma_start3A_71 : memref<1x1024xi32, #tpu.memory_space<vmem>> -> memref<1024xi32, #tpu.memory_space<vmem>>
      %dma_start3A_73 = tpu.memref_slice %arg3[%add3A_64] : memref<327680xi32, #tpu.memory_space<hbm>> -> memref<1024xi32, #tpu.memory_space<hbm>>
      tpu.enqueue_dma source(%dma_start3A_73 : memref<1024xi32, #tpu.memory_space<hbm>>) target(%dma_start3A_72 : memref<1024xi32, #tpu.memory_space<vmem>>) target_semaphore(%dma_start3A_69 : memref<!tpu.dma_semaphore, #tpu.memory_space<semaphore_mem>>)
      %dma_start3A_74 = arith.constant 0 : i32
      %dma_start3A_75 = tpu.memref_slice %arg11[%rem3A_58, %dma_start3A_74] : memref<2x1024xi32, #tpu.memory_space<vmem>> -> memref<1x1024xi32, #tpu.memory_space<vmem>>
      %dma_start3A_76 = tpu.memref_squeeze %dma_start3A_75 : memref<1x1024xi32, #tpu.memory_space<vmem>> -> memref<1024xi32, #tpu.memory_space<vmem>>
      %dma_start3A_77 = tpu.memref_slice %arg4[%add3A_64] : memref<327680xi32, #tpu.memory_space<hbm>> -> memref<1024xi32, #tpu.memory_space<hbm>>
      %dma_start3A_78 = tpu.memref_slice %arg21[%rem3A_58] : memref<2x!tpu.dma_semaphore, #tpu.memory_space<semaphore_mem>> -> memref<1x!tpu.dma_semaphore, #tpu.memory_space<semaphore_mem>>
      %dma_start3A_79 = tpu.memref_squeeze %dma_start3A_78 : memref<1x!tpu.dma_semaphore, #tpu.memory_space<semaphore_mem>> -> memref<!tpu.dma_semaphore, #tpu.memory_space<semaphore_mem>>
      %dma_start3A_80 = arith.constant 0 : i32
      %dma_start3A_81 = tpu.memref_slice %arg11[%rem3A_58, %dma_start3A_80] : memref<2x1024xi32, #tpu.memory_space<vmem>> -> memref<1x1024xi32, #tpu.memory_space<vmem>>
      %dma_start3A_82 = tpu.memref_squeeze %dma_start3A_81 : memref<1x1024xi32, #tpu.memory_space<vmem>> -> memref<1024xi32, #tpu.memory_space<vmem>>
      %dma_start3A_83 = tpu.memref_slice %arg4[%add3A_64] : memref<327680xi32, #tpu.memory_space<hbm>> -> memref<1024xi32, #tpu.memory_space<hbm>>
      tpu.enqueue_dma source(%dma_start3A_83 : memref<1024xi32, #tpu.memory_space<hbm>>) target(%dma_start3A_82 : memref<1024xi32, #tpu.memory_space<vmem>>) target_semaphore(%dma_start3A_79 : memref<!tpu.dma_semaphore, #tpu.memory_space<semaphore_mem>>)
      %dma_start3A_84 = arith.constant 0 : i32
      %dma_start3A_85 = tpu.memref_slice %arg12[%rem3A_58, %dma_start3A_84] : memref<2x1024xi32, #tpu.memory_space<vmem>> -> memref<1x1024xi32, #tpu.memory_space<vmem>>
      %dma_start3A_86 = tpu.memref_squeeze %dma_start3A_85 : memref<1x1024xi32, #tpu.memory_space<vmem>> -> memref<1024xi32, #tpu.memory_space<vmem>>
      %dma_start3A_87 = tpu.memref_slice %arg5[%add3A_64] : memref<327680xi32, #tpu.memory_space<hbm>> -> memref<1024xi32, #tpu.memory_space<hbm>>
      %dma_start3A_88 = tpu.memref_slice %arg21[%rem3A_58] : memref<2x!tpu.dma_semaphore, #tpu.memory_space<semaphore_mem>> -> memref<1x!tpu.dma_semaphore, #tpu.memory_space<semaphore_mem>>
      %dma_start3A_89 = tpu.memref_squeeze %dma_start3A_88 : memref<1x!tpu.dma_semaphore, #tpu.memory_space<semaphore_mem>> -> memref<!tpu.dma_semaphore, #tpu.memory_space<semaphore_mem>>
      %dma_start3A_90 = arith.constant 0 : i32
      %dma_start3A_91 = tpu.memref_slice %arg12[%rem3A_58, %dma_start3A_90] : memref<2x1024xi32, #tpu.memory_space<vmem>> -> memref<1x1024xi32, #tpu.memory_space<vmem>>
      %dma_start3A_92 = tpu.memref_squeeze %dma_start3A_91 : memref<1x1024xi32, #tpu.memory_space<vmem>> -> memref<1024xi32, #tpu.memory_space<vmem>>
      %dma_start3A_93 = tpu.memref_slice %arg5[%add3A_64] : memref<327680xi32, #tpu.memory_space<hbm>> -> memref<1024xi32, #tpu.memory_space<hbm>>
      tpu.enqueue_dma source(%dma_start3A_93 : memref<1024xi32, #tpu.memory_space<hbm>>) target(%dma_start3A_92 : memref<1024xi32, #tpu.memory_space<vmem>>) target_semaphore(%dma_start3A_89 : memref<!tpu.dma_semaphore, #tpu.memory_space<semaphore_mem>>)
      %scan3A_94 = arith.constant 0 : i32
      %scan3A_95 = arith.constant 0 : i32
      %scan3A_96 = arith.constant 0 : i32
      %scan3A_97 = arith.constant 20 : i32
      %scan3A_98 = arith.addi %scan3A_96, %scan3A_97 : i32
      %scan3A_99 = arith.constant 1 : i32
      %scan3A_100:2 = scf.for %scan3A_206 = %scan3A_96 to %scan3A_98 step %scan3A_99 iter_args(%scan3A_207 = %scan3A_94, %scan3A_208 = %scan3A_95) -> (i32, i32)  : i32 {
        %add3A_209 = arith.constant 1 : i32
        %add3A_210 = arith.addi %scan3A_206, %add3A_209 : i32
        %lt3A_211 = arith.constant 20 : i32
        %lt3A_212 = arith.cmpi slt, %add3A_210, %lt3A_211 : i32
        %convert_element_type3A_213 = arith.extui %lt3A_212 : i1 to i32
        %cond3A_214 = arith.constant 0 : i32
        %cond3A_215 = arith.cmpi ne, %convert_element_type3A_213, %cond3A_214 : i32
        scf.if %cond3A_215 {
          %add3A_270 = arith.constant 1 : i32
          %add3A_271 = arith.addi %scan3A_206, %add3A_270 : i32
          %rem3A_272 = arith.constant 2 : i32
          %rem3A_273 = arith.remsi %add3A_271, %rem3A_272 : i32
          %mul3A_274 = arith.constant 20480 : i32
          %mul3A_275 = arith.muli %arg1, %mul3A_274 : i32
          %mul3A_276 = arith.constant 1024 : i32
          %mul3A_277 = arith.muli %add3A_271, %mul3A_276 : i32
          %add3A_278 = arith.addi %mul3A_275, %mul3A_277 : i32
          %dma_start3A_279 = arith.constant 0 : i32
          %dma_start3A_280 = tpu.memref_slice %arg10[%rem3A_273, %dma_start3A_279] : memref<2x1024xi32, #tpu.memory_space<vmem>> -> memref<1x1024xi32, #tpu.memory_space<vmem>>
          %dma_start3A_281 = tpu.memref_squeeze %dma_start3A_280 : memref<1x1024xi32, #tpu.memory_space<vmem>> -> memref<1024xi32, #tpu.memory_space<vmem>>
          %dma_start3A_282 = tpu.memref_slice %arg3[%add3A_278] : memref<327680xi32, #tpu.memory_space<hbm>> -> memref<1024xi32, #tpu.memory_space<hbm>>
          %dma_start3A_283 = tpu.memref_slice %arg21[%rem3A_273] : memref<2x!tpu.dma_semaphore, #tpu.memory_space<semaphore_mem>> -> memref<1x!tpu.dma_semaphore, #tpu.memory_space<semaphore_mem>>
          %dma_start3A_284 = tpu.memref_squeeze %dma_start3A_283 : memref<1x!tpu.dma_semaphore, #tpu.memory_space<semaphore_mem>> -> memref<!tpu.dma_semaphore, #tpu.memory_space<semaphore_mem>>
          %dma_start3A_285 = arith.constant 0 : i32
          %dma_start3A_286 = tpu.memref_slice %arg10[%rem3A_273, %dma_start3A_285] : memref<2x1024xi32, #tpu.memory_space<vmem>> -> memref<1x1024xi32, #tpu.memory_space<vmem>>
          %dma_start3A_287 = tpu.memref_squeeze %dma_start3A_286 : memref<1x1024xi32, #tpu.memory_space<vmem>> -> memref<1024xi32, #tpu.memory_space<vmem>>
          %dma_start3A_288 = tpu.memref_slice %arg3[%add3A_278] : memref<327680xi32, #tpu.memory_space<hbm>> -> memref<1024xi32, #tpu.memory_space<hbm>>
          tpu.enqueue_dma source(%dma_start3A_288 : memref<1024xi32, #tpu.memory_space<hbm>>) target(%dma_start3A_287 : memref<1024xi32, #tpu.memory_space<vmem>>) target_semaphore(%dma_start3A_284 : memref<!tpu.dma_semaphore, #tpu.memory_space<semaphore_mem>>)
          %dma_start3A_289 = arith.constant 0 : i32
          %dma_start3A_290 = tpu.memref_slice %arg11[%rem3A_273, %dma_start3A_289] : memref<2x1024xi32, #tpu.memory_space<vmem>> -> memref<1x1024xi32, #tpu.memory_space<vmem>>
          %dma_start3A_291 = tpu.memref_squeeze %dma_start3A_290 : memref<1x1024xi32, #tpu.memory_space<vmem>> -> memref<1024xi32, #tpu.memory_space<vmem>>
          %dma_start3A_292 = tpu.memref_slice %arg4[%add3A_278] : memref<327680xi32, #tpu.memory_space<hbm>> -> memref<1024xi32, #tpu.memory_space<hbm>>
          %dma_start3A_293 = tpu.memref_slice %arg21[%rem3A_273] : memref<2x!tpu.dma_semaphore, #tpu.memory_space<semaphore_mem>> -> memref<1x!tpu.dma_semaphore, #tpu.memory_space<semaphore_mem>>
          %dma_start3A_294 = tpu.memref_squeeze %dma_start3A_293 : memref<1x!tpu.dma_semaphore, #tpu.memory_space<semaphore_mem>> -> memref<!tpu.dma_semaphore, #tpu.memory_space<semaphore_mem>>
          %dma_start3A_295 = arith.constant 0 : i32
          %dma_start3A_296 = tpu.memref_slice %arg11[%rem3A_273, %dma_start3A_295] : memref<2x1024xi32, #tpu.memory_space<vmem>> -> memref<1x1024xi32, #tpu.memory_space<vmem>>
          %dma_start3A_297 = tpu.memref_squeeze %dma_start3A_296 : memref<1x1024xi32, #tpu.memory_space<vmem>> -> memref<1024xi32, #tpu.memory_space<vmem>>
          %dma_start3A_298 = tpu.memref_slice %arg4[%add3A_278] : memref<327680xi32, #tpu.memory_space<hbm>> -> memref<1024xi32, #tpu.memory_space<hbm>>
          tpu.enqueue_dma source(%dma_start3A_298 : memref<1024xi32, #tpu.memory_space<hbm>>) target(%dma_start3A_297 : memref<1024xi32, #tpu.memory_space<vmem>>) target_semaphore(%dma_start3A_294 : memref<!tpu.dma_semaphore, #tpu.memory_space<semaphore_mem>>)
          %dma_start3A_299 = arith.constant 0 : i32
          %dma_start3A_300 = tpu.memref_slice %arg12[%rem3A_273, %dma_start3A_299] : memref<2x1024xi32, #tpu.memory_space<vmem>> -> memref<1x1024xi32, #tpu.memory_space<vmem>>
          %dma_start3A_301 = tpu.memref_squeeze %dma_start3A_300 : memref<1x1024xi32, #tpu.memory_space<vmem>> -> memref<1024xi32, #tpu.memory_space<vmem>>
          %dma_start3A_302 = tpu.memref_slice %arg5[%add3A_278] : memref<327680xi32, #tpu.memory_space<hbm>> -> memref<1024xi32, #tpu.memory_space<hbm>>
          %dma_start3A_303 = tpu.memref_slice %arg21[%rem3A_273] : memref<2x!tpu.dma_semaphore, #tpu.memory_space<semaphore_mem>> -> memref<1x!tpu.dma_semaphore, #tpu.memory_space<semaphore_mem>>
          %dma_start3A_304 = tpu.memref_squeeze %dma_start3A_303 : memref<1x!tpu.dma_semaphore, #tpu.memory_space<semaphore_mem>> -> memref<!tpu.dma_semaphore, #tpu.memory_space<semaphore_mem>>
          %dma_start3A_305 = arith.constant 0 : i32
          %dma_start3A_306 = tpu.memref_slice %arg12[%rem3A_273, %dma_start3A_305] : memref<2x1024xi32, #tpu.memory_space<vmem>> -> memref<1x1024xi32, #tpu.memory_space<vmem>>
          %dma_start3A_307 = tpu.memref_squeeze %dma_start3A_306 : memref<1x1024xi32, #tpu.memory_space<vmem>> -> memref<1024xi32, #tpu.memory_space<vmem>>
          %dma_start3A_308 = tpu.memref_slice %arg5[%add3A_278] : memref<327680xi32, #tpu.memory_space<hbm>> -> memref<1024xi32, #tpu.memory_space<hbm>>
          tpu.enqueue_dma source(%dma_start3A_308 : memref<1024xi32, #tpu.memory_space<hbm>>) target(%dma_start3A_307 : memref<1024xi32, #tpu.memory_space<vmem>>) target_semaphore(%dma_start3A_304 : memref<!tpu.dma_semaphore, #tpu.memory_space<semaphore_mem>>)
        } else {
        }
        %rem3A_216 = arith.constant 2 : i32
        %rem3A_217 = arith.remsi %scan3A_206, %rem3A_216 : i32
        %mul3A_218 = arith.constant 20480 : i32
        %mul3A_219 = arith.muli %arg1, %mul3A_218 : i32
        %mul3A_220 = arith.constant 1024 : i32
        %mul3A_221 = arith.muli %scan3A_206, %mul3A_220 : i32
        %add3A_222 = arith.addi %mul3A_219, %mul3A_221 : i32
        %dma_wait3A_223 = arith.constant 0 : i32
        %dma_wait3A_224 = tpu.memref_slice %arg10[%rem3A_217, %dma_wait3A_223] : memref<2x1024xi32, #tpu.memory_space<vmem>> -> memref<1x1024xi32, #tpu.memory_space<vmem>>
        %dma_wait3A_225 = tpu.memref_squeeze %dma_wait3A_224 : memref<1x1024xi32, #tpu.memory_space<vmem>> -> memref<1024xi32, #tpu.memory_space<vmem>>
        %dma_wait3A_226 = tpu.memref_slice %arg3[%add3A_222] : memref<327680xi32, #tpu.memory_space<hbm>> -> memref<1024xi32, #tpu.memory_space<hbm>>
        %dma_wait3A_227 = tpu.memref_slice %arg21[%rem3A_217] : memref<2x!tpu.dma_semaphore, #tpu.memory_space<semaphore_mem>> -> memref<1x!tpu.dma_semaphore, #tpu.memory_space<semaphore_mem>>
        %dma_wait3A_228 = tpu.memref_squeeze %dma_wait3A_227 : memref<1x!tpu.dma_semaphore, #tpu.memory_space<semaphore_mem>> -> memref<!tpu.dma_semaphore, #tpu.memory_space<semaphore_mem>>
        %dma_wait3A_229 = arith.constant 0 : i32
        %dma_wait3A_230 = tpu.memref_slice %arg10[%rem3A_217, %dma_wait3A_229] : memref<2x1024xi32, #tpu.memory_space<vmem>> -> memref<1x1024xi32, #tpu.memory_space<vmem>>
        %dma_wait3A_231 = tpu.memref_squeeze %dma_wait3A_230 : memref<1x1024xi32, #tpu.memory_space<vmem>> -> memref<1024xi32, #tpu.memory_space<vmem>>
        %dma_wait3A_232 = tpu.memref_slice %arg3[%add3A_222] : memref<327680xi32, #tpu.memory_space<hbm>> -> memref<1024xi32, #tpu.memory_space<hbm>>
        tpu.wait_dma2 semaphore(%dma_wait3A_228 : memref<!tpu.dma_semaphore, #tpu.memory_space<semaphore_mem>>) src(%dma_wait3A_232 : memref<1024xi32, #tpu.memory_space<hbm>>) dst(%dma_wait3A_231 : memref<1024xi32, #tpu.memory_space<vmem>>)
        %dma_wait3A_233 = arith.constant 0 : i32
        %dma_wait3A_234 = tpu.memref_slice %arg11[%rem3A_217, %dma_wait3A_233] : memref<2x1024xi32, #tpu.memory_space<vmem>> -> memref<1x1024xi32, #tpu.memory_space<vmem>>
        %dma_wait3A_235 = tpu.memref_squeeze %dma_wait3A_234 : memref<1x1024xi32, #tpu.memory_space<vmem>> -> memref<1024xi32, #tpu.memory_space<vmem>>
        %dma_wait3A_236 = tpu.memref_slice %arg4[%add3A_222] : memref<327680xi32, #tpu.memory_space<hbm>> -> memref<1024xi32, #tpu.memory_space<hbm>>
        %dma_wait3A_237 = tpu.memref_slice %arg21[%rem3A_217] : memref<2x!tpu.dma_semaphore, #tpu.memory_space<semaphore_mem>> -> memref<1x!tpu.dma_semaphore, #tpu.memory_space<semaphore_mem>>
        %dma_wait3A_238 = tpu.memref_squeeze %dma_wait3A_237 : memref<1x!tpu.dma_semaphore, #tpu.memory_space<semaphore_mem>> -> memref<!tpu.dma_semaphore, #tpu.memory_space<semaphore_mem>>
        %dma_wait3A_239 = arith.constant 0 : i32
        %dma_wait3A_240 = tpu.memref_slice %arg11[%rem3A_217, %dma_wait3A_239] : memref<2x1024xi32, #tpu.memory_space<vmem>> -> memref<1x1024xi32, #tpu.memory_space<vmem>>
        %dma_wait3A_241 = tpu.memref_squeeze %dma_wait3A_240 : memref<1x1024xi32, #tpu.memory_space<vmem>> -> memref<1024xi32, #tpu.memory_space<vmem>>
        %dma_wait3A_242 = tpu.memref_slice %arg4[%add3A_222] : memref<327680xi32, #tpu.memory_space<hbm>> -> memref<1024xi32, #tpu.memory_space<hbm>>
        tpu.wait_dma2 semaphore(%dma_wait3A_238 : memref<!tpu.dma_semaphore, #tpu.memory_space<semaphore_mem>>) src(%dma_wait3A_242 : memref<1024xi32, #tpu.memory_space<hbm>>) dst(%dma_wait3A_241 : memref<1024xi32, #tpu.memory_space<vmem>>)
        %dma_wait3A_243 = arith.constant 0 : i32
        %dma_wait3A_244 = tpu.memref_slice %arg12[%rem3A_217, %dma_wait3A_243] : memref<2x1024xi32, #tpu.memory_space<vmem>> -> memref<1x1024xi32, #tpu.memory_space<vmem>>
        %dma_wait3A_245 = tpu.memref_squeeze %dma_wait3A_244 : memref<1x1024xi32, #tpu.memory_space<vmem>> -> memref<1024xi32, #tpu.memory_space<vmem>>
        %dma_wait3A_246 = tpu.memref_slice %arg5[%add3A_222] : memref<327680xi32, #tpu.memory_space<hbm>> -> memref<1024xi32, #tpu.memory_space<hbm>>
        %dma_wait3A_247 = tpu.memref_slice %arg21[%rem3A_217] : memref<2x!tpu.dma_semaphore, #tpu.memory_space<semaphore_mem>> -> memref<1x!tpu.dma_semaphore, #tpu.memory_space<semaphore_mem>>
        %dma_wait3A_248 = tpu.memref_squeeze %dma_wait3A_247 : memref<1x!tpu.dma_semaphore, #tpu.memory_space<semaphore_mem>> -> memref<!tpu.dma_semaphore, #tpu.memory_space<semaphore_mem>>
        %dma_wait3A_249 = arith.constant 0 : i32
        %dma_wait3A_250 = tpu.memref_slice %arg12[%rem3A_217, %dma_wait3A_249] : memref<2x1024xi32, #tpu.memory_space<vmem>> -> memref<1x1024xi32, #tpu.memory_space<vmem>>
        %dma_wait3A_251 = tpu.memref_squeeze %dma_wait3A_250 : memref<1x1024xi32, #tpu.memory_space<vmem>> -> memref<1024xi32, #tpu.memory_space<vmem>>
        %dma_wait3A_252 = tpu.memref_slice %arg5[%add3A_222] : memref<327680xi32, #tpu.memory_space<hbm>> -> memref<1024xi32, #tpu.memory_space<hbm>>
        tpu.wait_dma2 semaphore(%dma_wait3A_248 : memref<!tpu.dma_semaphore, #tpu.memory_space<semaphore_mem>>) src(%dma_wait3A_252 : memref<1024xi32, #tpu.memory_space<hbm>>) dst(%dma_wait3A_251 : memref<1024xi32, #tpu.memory_space<vmem>>)
        %rem3A_253 = arith.constant 2 : i32
        %rem3A_254 = arith.remsi %scan3A_206, %rem3A_253 : i32
        %scan3A_255 = arith.constant 0 : i32
        %scan3A_256 = arith.constant 16 : i32
        %scan3A_257 = arith.addi %scan3A_255, %scan3A_256 : i32
        %scan3A_258 = arith.constant 1 : i32
        %scan3A_259 = scf.for %scan3A_270 = %scan3A_255 to %scan3A_257 step %scan3A_258 iter_args(%scan3A_271 = %scan3A_207) -> (i32)  : i32 {
          %mul3A_272 = arith.constant 64 : i32
          %mul3A_273 = arith.muli %scan3A_270, %mul3A_272 : i32
          %add3A_274 = arith.constant 0 : i32
          %add3A_275 = arith.addi %mul3A_273, %add3A_274 : i32
          %get3A = arith.index_cast %rem3A_254 : i32 to index
          %get3A_276 = arith.index_cast %add3A_275 : i32 to index
          %get3A_277 = tpu.vector_load %arg12[%get3A, %get3A_276] {strides = array<i32>} : memref<2x1024xi32, #tpu.memory_space<vmem>>, vector<16xi32>,
          %get3A_278 = arith.index_cast %rem3A_254 : i32 to index
          %get3A_279 = arith.index_cast %add3A_275 : i32 to index
          %get3A_280 = tpu.vector_load %arg10[%get3A_278, %get3A_279] {strides = array<i32>} : memref<2x1024xi32, #tpu.memory_space<vmem>>, vector<16xi32>,
          %get3A_281 = arith.index_cast %rem3A_254 : i32 to index
          %get3A_282 = arith.index_cast %add3A_275 : i32 to index
          %get3A_283 = tpu.vector_load %arg11[%get3A_281, %get3A_282] {strides = array<i32>} : memref<2x1024xi32, #tpu.memory_space<vmem>>, vector<16xi32>,
          %eq3A_284 = arith.cmpi eq, %get3A_277, %broadcast_in_dim3A_31 : vector<16xi32>
          %ge3A_285 = arith.cmpi sge, %get3A_283, %broadcast_in_dim3A_43 : vector<16xi32>
          %and3A_286 = arith.andi %eq3A_284, %ge3A_285 : vector<16xi1>
          %lt3A_287 = arith.cmpi slt, %get3A_283, %broadcast_in_dim3A_44 : vector<16xi32>
          %and3A_288 = arith.andi %and3A_286, %lt3A_287 : vector<16xi1>
          %swap3A = arith.index_cast %scan3A_271 : i32 to index
          %swap3A_289 = tpu.vector_load %arg13[%swap3A] masked %and3A_288 {strides = array<i32>} : memref<1168xi32, #tpu.memory_space<vmem>>, vector<16xi32>, vector<16xi1>
          tpu.vector_store %arg13[%swap3A], %get3A_280 masked %and3A_288 {strides = array<i32>} : memref<1168xi32, #tpu.memory_space<vmem>>, vector<16xi32>, vector<16xi1>
          %swap3A_290 = arith.index_cast %scan3A_271 : i32 to index
          %swap3A_291 = tpu.vector_load %arg14[%swap3A_290] masked %and3A_288 {strides = array<i32>} : memref<1168xi32, #tpu.memory_space<vmem>>, vector<16xi32>, vector<16xi1>
          tpu.vector_store %arg14[%swap3A_290], %get3A_283 masked %and3A_288 {strides = array<i32>} : memref<1168xi32, #tpu.memory_space<vmem>>, vector<16xi32>, vector<16xi1>
          %all_reduce_population_count3A = tpu.all_reduce %and3A_288 {dim = 0 : i64, kind = #tpu.reduction_kind<sum>} : vector<16xi1> -> vector<16xi32>
          %slice3A = vector.extract_strided_slice %all_reduce_population_count3A {offsets = [0], sizes = [1], strides = [1]} : vector<16xi32> to vector<1xi32>
          %squeeze3A = vector.extract %slice3A[0] : i32 from vector<1xi32>
          %add3A_292 = arith.addi %scan3A_271, %squeeze3A : i32
          %mul3A_293 = arith.constant 64 : i32
          %mul3A_294 = arith.muli %scan3A_270, %mul3A_293 : i32
          %add3A_295 = arith.constant 16 : i32
          %add3A_296 = arith.addi %mul3A_294, %add3A_295 : i32
          %get3A_297 = arith.index_cast %rem3A_254 : i32 to index
          %get3A_298 = arith.index_cast %add3A_296 : i32 to index
          %get3A_299 = tpu.vector_load %arg12[%get3A_297, %get3A_298] {strides = array<i32>} : memref<2x1024xi32, #tpu.memory_space<vmem>>, vector<16xi32>,
          %get3A_300 = arith.index_cast %rem3A_254 : i32 to index
          %get3A_301 = arith.index_cast %add3A_296 : i32 to index
          %get3A_302 = tpu.vector_load %arg10[%get3A_300, %get3A_301] {strides = array<i32>} : memref<2x1024xi32, #tpu.memory_space<vmem>>, vector<16xi32>,
          %get3A_303 = arith.index_cast %rem3A_254 : i32 to index
          %get3A_304 = arith.index_cast %add3A_296 : i32 to index
          %get3A_305 = tpu.vector_load %arg11[%get3A_303, %get3A_304] {strides = array<i32>} : memref<2x1024xi32, #tpu.memory_space<vmem>>, vector<16xi32>,
          %eq3A_306 = arith.cmpi eq, %get3A_299, %broadcast_in_dim3A_31 : vector<16xi32>
          %ge3A_307 = arith.cmpi sge, %get3A_305, %broadcast_in_dim3A_43 : vector<16xi32>
          %and3A_308 = arith.andi %eq3A_306, %ge3A_307 : vector<16xi1>
          %lt3A_309 = arith.cmpi slt, %get3A_305, %broadcast_in_dim3A_44 : vector<16xi32>
          %and3A_310 = arith.andi %and3A_308, %lt3A_309 : vector<16xi1>
          %swap3A_311 = arith.index_cast %add3A_292 : i32 to index
          %swap3A_312 = tpu.vector_load %arg13[%swap3A_311] masked %and3A_310 {strides = array<i32>} : memref<1168xi32, #tpu.memory_space<vmem>>, vector<16xi32>, vector<16xi1>
          tpu.vector_store %arg13[%swap3A_311], %get3A_302 masked %and3A_310 {strides = array<i32>} : memref<1168xi32, #tpu.memory_space<vmem>>, vector<16xi32>, vector<16xi1>
          %swap3A_313 = arith.index_cast %add3A_292 : i32 to index
          %swap3A_314 = tpu.vector_load %arg14[%swap3A_313] masked %and3A_310 {strides = array<i32>} : memref<1168xi32, #tpu.memory_space<vmem>>, vector<16xi32>, vector<16xi1>
          tpu.vector_store %arg14[%swap3A_313], %get3A_305 masked %and3A_310 {strides = array<i32>} : memref<1168xi32, #tpu.memory_space<vmem>>, vector<16xi32>, vector<16xi1>
          %all_reduce_population_count3A_315 = tpu.all_reduce %and3A_310 {dim = 0 : i64, kind = #tpu.reduction_kind<sum>} : vector<16xi1> -> vector<16xi32>
          %slice3A_316 = vector.extract_strided_slice %all_reduce_population_count3A_315 {offsets = [0], sizes = [1], strides = [1]} : vector<16xi32> to vector<1xi32>
          %squeeze3A_317 = vector.extract %slice3A_316[0] : i32 from vector<1xi32>
          %add3A_318 = arith.addi %add3A_292, %squeeze3A_317 : i32
          %mul3A_319 = arith.constant 64 : i32
          %mul3A_320 = arith.muli %scan3A_270, %mul3A_319 : i32
          %add3A_321 = arith.constant 32 : i32
          %add3A_322 = arith.addi %mul3A_320, %add3A_321 : i32
          %get3A_323 = arith.index_cast %rem3A_254 : i32 to index
          %get3A_324 = arith.index_cast %add3A_322 : i32 to index
          %get3A_325 = tpu.vector_load %arg12[%get3A_323, %get3A_324] {strides = array<i32>} : memref<2x1024xi32, #tpu.memory_space<vmem>>, vector<16xi32>,
          %get3A_326 = arith.index_cast %rem3A_254 : i32 to index
          %get3A_327 = arith.index_cast %add3A_322 : i32 to index
          %get3A_328 = tpu.vector_load %arg10[%get3A_326, %get3A_327] {strides = array<i32>} : memref<2x1024xi32, #tpu.memory_space<vmem>>, vector<16xi32>,
          %get3A_329 = arith.index_cast %rem3A_254 : i32 to index
          %get3A_330 = arith.index_cast %add3A_322 : i32 to index
          %get3A_331 = tpu.vector_load %arg11[%get3A_329, %get3A_330] {strides = array<i32>} : memref<2x1024xi32, #tpu.memory_space<vmem>>, vector<16xi32>,
          %eq3A_332 = arith.cmpi eq, %get3A_325, %broadcast_in_dim3A_31 : vector<16xi32>
          %ge3A_333 = arith.cmpi sge, %get3A_331, %broadcast_in_dim3A_43 : vector<16xi32>
          %and3A_334 = arith.andi %eq3A_332, %ge3A_333 : vector<16xi1>
          %lt3A_335 = arith.cmpi slt, %get3A_331, %broadcast_in_dim3A_44 : vector<16xi32>
          %and3A_336 = arith.andi %and3A_334, %lt3A_335 : vector<16xi1>
          %swap3A_337 = arith.index_cast %add3A_318 : i32 to index
          %swap3A_338 = tpu.vector_load %arg13[%swap3A_337] masked %and3A_336 {strides = array<i32>} : memref<1168xi32, #tpu.memory_space<vmem>>, vector<16xi32>, vector<16xi1>
          tpu.vector_store %arg13[%swap3A_337], %get3A_328 masked %and3A_336 {strides = array<i32>} : memref<1168xi32, #tpu.memory_space<vmem>>, vector<16xi32>, vector<16xi1>
          %swap3A_339 = arith.index_cast %add3A_318 : i32 to index
          %swap3A_340 = tpu.vector_load %arg14[%swap3A_339] masked %and3A_336 {strides = array<i32>} : memref<1168xi32, #tpu.memory_space<vmem>>, vector<16xi32>, vector<16xi1>
          tpu.vector_store %arg14[%swap3A_339], %get3A_331 masked %and3A_336 {strides = array<i32>} : memref<1168xi32, #tpu.memory_space<vmem>>, vector<16xi32>, vector<16xi1>
          %all_reduce_population_count3A_341 = tpu.all_reduce %and3A_336 {dim = 0 : i64, kind = #tpu.reduction_kind<sum>} : vector<16xi1> -> vector<16xi32>
          %slice3A_342 = vector.extract_strided_slice %all_reduce_population_count3A_341 {offsets = [0], sizes = [1], strides = [1]} : vector<16xi32> to vector<1xi32>
          %squeeze3A_343 = vector.extract %slice3A_342[0] : i32 from vector<1xi32>
          %add3A_344 = arith.addi %add3A_318, %squeeze3A_343 : i32
          %mul3A_345 = arith.constant 64 : i32
          %mul3A_346 = arith.muli %scan3A_270, %mul3A_345 : i32
          %add3A_347 = arith.constant 48 : i32
          %add3A_348 = arith.addi %mul3A_346, %add3A_347 : i32
          %get3A_349 = arith.index_cast %rem3A_254 : i32 to index
          %get3A_350 = arith.index_cast %add3A_348 : i32 to index
          %get3A_351 = tpu.vector_load %arg12[%get3A_349, %get3A_350] {strides = array<i32>} : memref<2x1024xi32, #tpu.memory_space<vmem>>, vector<16xi32>,
          %get3A_352 = arith.index_cast %rem3A_254 : i32 to index
          %get3A_353 = arith.index_cast %add3A_348 : i32 to index
          %get3A_354 = tpu.vector_load %arg10[%get3A_352, %get3A_353] {strides = array<i32>} : memref<2x1024xi32, #tpu.memory_space<vmem>>, vector<16xi32>,
          %get3A_355 = arith.index_cast %rem3A_254 : i32 to index
          %get3A_356 = arith.index_cast %add3A_348 : i32 to index
          %get3A_357 = tpu.vector_load %arg11[%get3A_355, %get3A_356] {strides = array<i32>} : memref<2x1024xi32, #tpu.memory_space<vmem>>, vector<16xi32>,
          %eq3A_358 = arith.cmpi eq, %get3A_351, %broadcast_in_dim3A_31 : vector<16xi32>
          %ge3A_359 = arith.cmpi sge, %get3A_357, %broadcast_in_dim3A_43 : vector<16xi32>
          %and3A_360 = arith.andi %eq3A_358, %ge3A_359 : vector<16xi1>
          %lt3A_361 = arith.cmpi slt, %get3A_357, %broadcast_in_dim3A_44 : vector<16xi32>
          %and3A_362 = arith.andi %and3A_360, %lt3A_361 : vector<16xi1>
          %swap3A_363 = arith.index_cast %add3A_344 : i32 to index
          %swap3A_364 = tpu.vector_load %arg13[%swap3A_363] masked %and3A_362 {strides = array<i32>} : memref<1168xi32, #tpu.memory_space<vmem>>, vector<16xi32>, vector<16xi1>
          tpu.vector_store %arg13[%swap3A_363], %get3A_354 masked %and3A_362 {strides = array<i32>} : memref<1168xi32, #tpu.memory_space<vmem>>, vector<16xi32>, vector<16xi1>
          %swap3A_365 = arith.index_cast %add3A_344 : i32 to index
          %swap3A_366 = tpu.vector_load %arg14[%swap3A_365] masked %and3A_362 {strides = array<i32>} : memref<1168xi32, #tpu.memory_space<vmem>>, vector<16xi32>, vector<16xi1>
          tpu.vector_store %arg14[%swap3A_365], %get3A_357 masked %and3A_362 {strides = array<i32>} : memref<1168xi32, #tpu.memory_space<vmem>>, vector<16xi32>, vector<16xi1>
          %all_reduce_population_count3A_367 = tpu.all_reduce %and3A_362 {dim = 0 : i64, kind = #tpu.reduction_kind<sum>} : vector<16xi1> -> vector<16xi32>
          %slice3A_368 = vector.extract_strided_slice %all_reduce_population_count3A_367 {offsets = [0], sizes = [1], strides = [1]} : vector<16xi32> to vector<1xi32>
          %squeeze3A_369 = vector.extract %slice3A_368[0] : i32 from vector<1xi32>
          %add3A_370 = arith.addi %add3A_344, %squeeze3A_369 : i32
          scf.yield %add3A_370 : i32
        }
        %scan3A_260 = arith.constant 16 : i32
        %while3A = arith.constant 0 : i32
        %while3A_261:2 = scf.while (%while3A_270 = %while3A, %while3A_271 = %scan3A_208) : (i32, i32) -> (i32, i32) {
          %sub3A_272 = arith.subi %scan3A_259, %while3A_270 : i32
          %ge3A_273 = arith.constant 128 : i32
          %ge3A_274 = arith.cmpi sge, %sub3A_272, %ge3A_273 : i32
          scf.condition(%ge3A_274) %while3A_270, %while3A_271 : i32, i32
        } do {
        ^bb0(%while3A_270: i32, %while3A_271: i32):
          %rem3A_272 = arith.constant 2 : i32
          %rem3A_273 = arith.remsi %while3A_271, %rem3A_272 : i32
          %ge3A_274 = arith.constant 2 : i32
          %ge3A_275 = arith.cmpi sge, %while3A_271, %ge3A_274 : i32
          %convert_element_type3A_276 = arith.extui %ge3A_275 : i1 to i32
          %cond3A_277 = arith.constant 0 : i32
          %cond3A_278 = arith.cmpi ne, %convert_element_type3A_276, %cond3A_277 : i32
          scf.if %cond3A_278 {
            %dma_wait3A_307 = arith.constant 0 : i32
            %dma_wait3A_308 = arith.constant 0 : i32
            %dma_wait3A_309 = tpu.memref_slice %arg17[%rem3A_273, %dma_wait3A_307, %dma_wait3A_308] : memref<2x128x128xf32, #tpu.memory_space<vmem>> -> memref<1x128x128xf32, #tpu.memory_space<vmem>>
            %dma_wait3A_310 = tpu.memref_squeeze %dma_wait3A_309 : memref<1x128x128xf32, #tpu.memory_space<vmem>> -> memref<128x128xf32, #tpu.memory_space<vmem>>
            %dma_wait3A_311 = arith.constant 0 : i32
            %dma_wait3A_312 = tpu.memref_slice %arg16[%rem3A_273, %dma_wait3A_311] : memref<2x128xi32, #tpu.memory_space<vmem>> -> memref<1x128xi32, #tpu.memory_space<vmem>>
            %dma_wait3A_313 = tpu.memref_squeeze %dma_wait3A_312 : memref<1x128xi32, #tpu.memory_space<vmem>> -> memref<128xi32, #tpu.memory_space<vmem>>
            %dma_wait3A_314 = arith.constant 0 : i32
            %dma_wait3A_315 = arith.constant 0 : i32
            %dma_wait3A_316 = tpu.memref_slice %arg8[%dma_wait3A_314, %dma_wait3A_315] : memref<10240x128xf32, #tpu.memory_space<vmem_shared>> -> memref<10240x128xf32, #tpu.memory_space<vmem_shared>>
            %dma_wait3A_317 = tpu.memref_slice %arg22[%rem3A_273] : memref<2x!tpu.dma_semaphore, #tpu.memory_space<semaphore_mem>> -> memref<1x!tpu.dma_semaphore, #tpu.memory_space<semaphore_mem>>
            %dma_wait3A_318 = tpu.memref_squeeze %dma_wait3A_317 : memref<1x!tpu.dma_semaphore, #tpu.memory_space<semaphore_mem>> -> memref<!tpu.dma_semaphore, #tpu.memory_space<semaphore_mem>>
            tpu.wait_indirect_dma semaphore(%dma_wait3A_318 : memref<!tpu.dma_semaphore, #tpu.memory_space<semaphore_mem>>) src(%dma_wait3A_310 : memref<128x128xf32, #tpu.memory_space<vmem>>) dst(%dma_wait3A_316 : memref<10240x128xf32, #tpu.memory_space<vmem_shared>>)
            %dma_wait3A_319 = arith.constant 0 : i32
            %dma_wait3A_320 = tpu.memref_slice %arg16[%rem3A_273, %dma_wait3A_319] : memref<2x128xi32, #tpu.memory_space<vmem>> -> memref<1x128xi32, #tpu.memory_space<vmem>>
            %dma_wait3A_321 = tpu.memref_squeeze %dma_wait3A_320 : memref<1x128xi32, #tpu.memory_space<vmem>> -> memref<128xi32, #tpu.memory_space<vmem>>
            %dma_wait3A_322 = arith.constant 0 : i32
            %dma_wait3A_323 = tpu.memref_slice %arg9[%dma_wait3A_322] : memref<10240xf32, #tpu.memory_space<vmem_shared>> -> memref<10240xf32, #tpu.memory_space<vmem_shared>>
            %dma_wait3A_324 = tpu.memref_slice %arg22[%rem3A_273] : memref<2x!tpu.dma_semaphore, #tpu.memory_space<semaphore_mem>> -> memref<1x!tpu.dma_semaphore, #tpu.memory_space<semaphore_mem>>
            %dma_wait3A_325 = tpu.memref_squeeze %dma_wait3A_324 : memref<1x!tpu.dma_semaphore, #tpu.memory_space<semaphore_mem>> -> memref<!tpu.dma_semaphore, #tpu.memory_space<semaphore_mem>>
            tpu.wait_indirect_dma semaphore(%dma_wait3A_325 : memref<!tpu.dma_semaphore, #tpu.memory_space<semaphore_mem>>) src(%arg18 : memref<128xf32, #tpu.memory_space<vmem>>) dst(%dma_wait3A_323 : memref<10240xf32, #tpu.memory_space<vmem_shared>>)
          } else {
          }
          %multiple_of3A_279 = tpu.assume_multiple %while3A_270, 128 : i32
          %scan3A_280 = arith.constant 0 : i32
          %scan3A_281 = arith.constant 0 : i32
          %scan3A_282 = arith.constant 8 : i32
          %scan3A_283 = arith.addi %scan3A_281, %scan3A_282 : i32
          %scan3A_284 = arith.constant 1 : i32
          scf.for %scan3A_307 = %scan3A_281 to %scan3A_283 step %scan3A_284  : i32 {
            %mul3A_308 = arith.constant 16 : i32
            %mul3A_309 = arith.muli %scan3A_307, %mul3A_308 : i32
            %add3A_310 = arith.addi %multiple_of3A_279, %mul3A_309 : i32
            %get3A = arith.index_cast %add3A_310 : i32 to index
            %get3A_311 = tpu.vector_load %arg13[%get3A] {strides = array<i32>} : memref<1168xi32, #tpu.memory_space<vmem>>, vector<16xi32>,
            %mul3A_312 = arith.constant 16 : i32
            %mul3A_313 = arith.muli %scan3A_307, %mul3A_312 : i32
            %swap3A = arith.index_cast %rem3A_273 : i32 to index
            %swap3A_314 = arith.index_cast %mul3A_313 : i32 to index
            %swap3A_315 = tpu.vector_load %arg15[%swap3A, %swap3A_314] {strides = array<i32>} : memref<2x128xi32, #tpu.memory_space<vmem>>, vector<16xi32>,
            tpu.vector_store %arg15[%swap3A, %swap3A_314], %get3A_311 {strides = array<i32>} : memref<2x128xi32, #tpu.memory_space<vmem>>, vector<16xi32>,
            %mul3A_316 = arith.constant 16 : i32
            %mul3A_317 = arith.muli %scan3A_307, %mul3A_316 : i32
            %add3A_318 = arith.addi %multiple_of3A_279, %mul3A_317 : i32
            %get3A_319 = arith.index_cast %add3A_318 : i32 to index
            %get3A_320 = tpu.vector_load %arg14[%get3A_319] {strides = array<i32>} : memref<1168xi32, #tpu.memory_space<vmem>>, vector<16xi32>,
            %mul3A_321 = arith.constant 16 : i32
            %mul3A_322 = arith.muli %scan3A_307, %mul3A_321 : i32
            %swap3A_323 = arith.index_cast %rem3A_273 : i32 to index
            %swap3A_324 = arith.index_cast %mul3A_322 : i32 to index
            %swap3A_325 = tpu.vector_load %arg16[%swap3A_323, %swap3A_324] {strides = array<i32>} : memref<2x128xi32, #tpu.memory_space<vmem>>, vector<16xi32>,
            tpu.vector_store %arg16[%swap3A_323, %swap3A_324], %get3A_320 {strides = array<i32>} : memref<2x128xi32, #tpu.memory_space<vmem>>, vector<16xi32>,
          }
          %scan3A_285 = arith.constant 8 : i32
          %dma_start3A_286 = arith.constant 0 : i32
          %dma_start3A_287 = arith.constant 0 : i32
          %dma_start3A_288 = tpu.memref_slice %arg17[%rem3A_273, %dma_start3A_286, %dma_start3A_287] : memref<2x128x128xf32, #tpu.memory_space<vmem>> -> memref<1x128x128xf32, #tpu.memory_space<vmem>>
          %dma_start3A_289 = tpu.memref_squeeze %dma_start3A_288 : memref<1x128x128xf32, #tpu.memory_space<vmem>> -> memref<128x128xf32, #tpu.memory_space<vmem>>
          %dma_start3A_290 = arith.constant 0 : i32
          %dma_start3A_291 = tpu.memref_slice %arg15[%rem3A_273, %dma_start3A_290] : memref<2x128xi32, #tpu.memory_space<vmem>> -> memref<1x128xi32, #tpu.memory_space<vmem>>
          %dma_start3A_292 = tpu.memref_squeeze %dma_start3A_291 : memref<1x128xi32, #tpu.memory_space<vmem>> -> memref<128xi32, #tpu.memory_space<vmem>>
          %dma_start3A_293 = arith.constant 0 : i32
          %dma_start3A_294 = arith.constant 0 : i32
          %dma_start3A_295 = tpu.memref_slice %arg2[%dma_start3A_293, %dma_start3A_294] : memref<10000x128xf32, #tpu.memory_space<hbm>> -> memref<10000x128xf32, #tpu.memory_space<hbm>>
          %dma_start3A_296 = tpu.memref_slice %arg20[%rem3A_273] : memref<2x!tpu.dma_semaphore, #tpu.memory_space<semaphore_mem>> -> memref<1x!tpu.dma_semaphore, #tpu.memory_space<semaphore_mem>>
          %dma_start3A_297 = tpu.memref_squeeze %dma_start3A_296 : memref<1x!tpu.dma_semaphore, #tpu.memory_space<semaphore_mem>> -> memref<!tpu.dma_semaphore, #tpu.memory_space<semaphore_mem>>
          tpu.enqueue_indirect_dma source(%dma_start3A_295 : memref<10000x128xf32, #tpu.memory_space<hbm>>) target(%dma_start3A_289 : memref<128x128xf32, #tpu.memory_space<vmem>>) offsets(%dma_start3A_292 : memref<128xi32, #tpu.memory_space<vmem>>) semaphore(%dma_start3A_297 : memref<!tpu.dma_semaphore, #tpu.memory_space<semaphore_mem>>)
          %ge3A_298 = arith.constant 1 : i32
          %ge3A_299 = arith.cmpi sge, %while3A_271, %ge3A_298 : i32
          %convert_element_type3A_300 = arith.extui %ge3A_299 : i1 to i32
          %cond3A_301 = arith.constant 0 : i32
          %cond3A_302 = arith.cmpi ne, %convert_element_type3A_300, %cond3A_301 : i32
          scf.if %cond3A_302 {
            %sub3A_307 = arith.constant 1 : i32
            %sub3A_308 = arith.subi %while3A_271, %sub3A_307 : i32
            %rem3A_309 = arith.constant 2 : i32
            %rem3A_310 = arith.remsi %sub3A_308, %rem3A_309 : i32
            %dma_wait3A_311 = arith.constant 0 : i32
            %dma_wait3A_312 = arith.constant 0 : i32
            %dma_wait3A_313 = tpu.memref_slice %arg17[%rem3A_310, %dma_wait3A_311, %dma_wait3A_312] : memref<2x128x128xf32, #tpu.memory_space<vmem>> -> memref<1x128x128xf32, #tpu.memory_space<vmem>>
            %dma_wait3A_314 = tpu.memref_squeeze %dma_wait3A_313 : memref<1x128x128xf32, #tpu.memory_space<vmem>> -> memref<128x128xf32, #tpu.memory_space<vmem>>
            %dma_wait3A_315 = arith.constant 0 : i32
            %dma_wait3A_316 = tpu.memref_slice %arg15[%rem3A_310, %dma_wait3A_315] : memref<2x128xi32, #tpu.memory_space<vmem>> -> memref<1x128xi32, #tpu.memory_space<vmem>>
            %dma_wait3A_317 = tpu.memref_squeeze %dma_wait3A_316 : memref<1x128xi32, #tpu.memory_space<vmem>> -> memref<128xi32, #tpu.memory_space<vmem>>
            %dma_wait3A_318 = arith.constant 0 : i32
            %dma_wait3A_319 = arith.constant 0 : i32
            %dma_wait3A_320 = tpu.memref_slice %arg2[%dma_wait3A_318, %dma_wait3A_319] : memref<10000x128xf32, #tpu.memory_space<hbm>> -> memref<10000x128xf32, #tpu.memory_space<hbm>>
            %dma_wait3A_321 = tpu.memref_slice %arg20[%rem3A_310] : memref<2x!tpu.dma_semaphore, #tpu.memory_space<semaphore_mem>> -> memref<1x!tpu.dma_semaphore, #tpu.memory_space<semaphore_mem>>
            %dma_wait3A_322 = tpu.memref_squeeze %dma_wait3A_321 : memref<1x!tpu.dma_semaphore, #tpu.memory_space<semaphore_mem>> -> memref<!tpu.dma_semaphore, #tpu.memory_space<semaphore_mem>>
            tpu.wait_indirect_dma semaphore(%dma_wait3A_322 : memref<!tpu.dma_semaphore, #tpu.memory_space<semaphore_mem>>) src(%dma_wait3A_320 : memref<10000x128xf32, #tpu.memory_space<hbm>>) dst(%dma_wait3A_314 : memref<128x128xf32, #tpu.memory_space<vmem>>)
            %dma_start3A_323 = arith.constant 0 : i32
            %dma_start3A_324 = arith.constant 0 : i32
            %dma_start3A_325 = tpu.memref_slice %arg17[%rem3A_310, %dma_start3A_323, %dma_start3A_324] : memref<2x128x128xf32, #tpu.memory_space<vmem>> -> memref<1x128x128xf32, #tpu.memory_space<vmem>>
            %dma_start3A_326 = tpu.memref_squeeze %dma_start3A_325 : memref<1x128x128xf32, #tpu.memory_space<vmem>> -> memref<128x128xf32, #tpu.memory_space<vmem>>
            %dma_start3A_327 = arith.constant 0 : i32
            %dma_start3A_328 = tpu.memref_slice %arg16[%rem3A_310, %dma_start3A_327] : memref<2x128xi32, #tpu.memory_space<vmem>> -> memref<1x128xi32, #tpu.memory_space<vmem>>
            %dma_start3A_329 = tpu.memref_squeeze %dma_start3A_328 : memref<1x128xi32, #tpu.memory_space<vmem>> -> memref<128xi32, #tpu.memory_space<vmem>>
            %dma_start3A_330 = arith.constant 0 : i32
            %dma_start3A_331 = arith.constant 0 : i32
            %dma_start3A_332 = tpu.memref_slice %arg8[%dma_start3A_330, %dma_start3A_331] : memref<10240x128xf32, #tpu.memory_space<vmem_shared>> -> memref<10240x128xf32, #tpu.memory_space<vmem_shared>>
            %dma_start3A_333 = tpu.memref_slice %arg22[%rem3A_310] : memref<2x!tpu.dma_semaphore, #tpu.memory_space<semaphore_mem>> -> memref<1x!tpu.dma_semaphore, #tpu.memory_space<semaphore_mem>>
            %dma_start3A_334 = tpu.memref_squeeze %dma_start3A_333 : memref<1x!tpu.dma_semaphore, #tpu.memory_space<semaphore_mem>> -> memref<!tpu.dma_semaphore, #tpu.memory_space<semaphore_mem>>
            tpu.enqueue_indirect_dma source(%dma_start3A_326 : memref<128x128xf32, #tpu.memory_space<vmem>>) target(%dma_start3A_332 : memref<10240x128xf32, #tpu.memory_space<vmem_shared>>) offsets(%dma_start3A_329 : memref<128xi32, #tpu.memory_space<vmem>>) semaphore(%dma_start3A_334 : memref<!tpu.dma_semaphore, #tpu.memory_space<semaphore_mem>>) {add = true}
            %dma_start3A_335 = arith.constant 0 : i32
            %dma_start3A_336 = tpu.memref_slice %arg16[%rem3A_310, %dma_start3A_335] : memref<2x128xi32, #tpu.memory_space<vmem>> -> memref<1x128xi32, #tpu.memory_space<vmem>>
            %dma_start3A_337 = tpu.memref_squeeze %dma_start3A_336 : memref<1x128xi32, #tpu.memory_space<vmem>> -> memref<128xi32, #tpu.memory_space<vmem>>
            %dma_start3A_338 = arith.constant 0 : i32
            %dma_start3A_339 = tpu.memref_slice %arg9[%dma_start3A_338] : memref<10240xf32, #tpu.memory_space<vmem_shared>> -> memref<10240xf32, #tpu.memory_space<vmem_shared>>
            %dma_start3A_340 = tpu.memref_slice %arg22[%rem3A_310] : memref<2x!tpu.dma_semaphore, #tpu.memory_space<semaphore_mem>> -> memref<1x!tpu.dma_semaphore, #tpu.memory_space<semaphore_mem>>
            %dma_start3A_341 = tpu.memref_squeeze %dma_start3A_340 : memref<1x!tpu.dma_semaphore, #tpu.memory_space<semaphore_mem>> -> memref<!tpu.dma_semaphore, #tpu.memory_space<semaphore_mem>>
            tpu.enqueue_indirect_dma source(%arg18 : memref<128xf32, #tpu.memory_space<vmem>>) target(%dma_start3A_339 : memref<10240xf32, #tpu.memory_space<vmem_shared>>) offsets(%dma_start3A_337 : memref<128xi32, #tpu.memory_space<vmem>>) semaphore(%dma_start3A_341 : memref<!tpu.dma_semaphore, #tpu.memory_space<semaphore_mem>>) {add = true}
          } else {
          }
          %add3A_303 = arith.constant 128 : i32
          %add3A_304 = arith.addi %while3A_270, %add3A_303 : i32
          %add3A_305 = arith.constant 1 : i32
          %add3A_306 = arith.addi %while3A_271, %add3A_305 : i32
          scf.yield %add3A_304, %add3A_306 : i32, i32
        }
        %multiple_of3A_262 = tpu.assume_multiple %while3A_261#0, 128 : i32
        %scan3A_263 = arith.constant 0 : i32
        %scan3A_264 = arith.constant 0 : i32
        %scan3A_265 = arith.constant 8 : i32
        %scan3A_266 = arith.addi %scan3A_264, %scan3A_265 : i32
        %scan3A_267 = arith.constant 1 : i32
        scf.for %scan3A_270 = %scan3A_264 to %scan3A_266 step %scan3A_267  : i32 {
          %mul3A_271 = arith.constant 16 : i32
          %mul3A_272 = arith.muli %scan3A_270, %mul3A_271 : i32
          %add3A_273 = arith.addi %multiple_of3A_262, %mul3A_272 : i32
          %get3A = arith.index_cast %add3A_273 : i32 to index
          %get3A_274 = tpu.vector_load %arg13[%get3A] {strides = array<i32>} : memref<1168xi32, #tpu.memory_space<vmem>>, vector<16xi32>,
          %mul3A_275 = arith.constant 16 : i32
          %mul3A_276 = arith.muli %scan3A_270, %mul3A_275 : i32
          %add3A_277 = arith.addi %multiple_of3A_262, %mul3A_276 : i32
          %get3A_278 = arith.index_cast %add3A_277 : i32 to index
          %get3A_279 = tpu.vector_load %arg14[%get3A_278] {strides = array<i32>} : memref<1168xi32, #tpu.memory_space<vmem>>, vector<16xi32>,
          %mul3A_280 = arith.constant 16 : i32
          %mul3A_281 = arith.muli %scan3A_270, %mul3A_280 : i32
          %swap3A = arith.index_cast %mul3A_281 : i32 to index
          %swap3A_282 = tpu.vector_load %arg13[%swap3A] {strides = array<i32>} : memref<1168xi32, #tpu.memory_space<vmem>>, vector<16xi32>,
          tpu.vector_store %arg13[%swap3A], %get3A_274 {strides = array<i32>} : memref<1168xi32, #tpu.memory_space<vmem>>, vector<16xi32>,
          %mul3A_283 = arith.constant 16 : i32
          %mul3A_284 = arith.muli %scan3A_270, %mul3A_283 : i32
          %swap3A_285 = arith.index_cast %mul3A_284 : i32 to index
          %swap3A_286 = tpu.vector_load %arg14[%swap3A_285] {strides = array<i32>} : memref<1168xi32, #tpu.memory_space<vmem>>, vector<16xi32>,
          tpu.vector_store %arg14[%swap3A_285], %get3A_279 {strides = array<i32>} : memref<1168xi32, #tpu.memory_space<vmem>>, vector<16xi32>,
        }
        %scan3A_268 = arith.constant 8 : i32
        %sub3A_269 = arith.subi %scan3A_259, %multiple_of3A_262 : i32
        scf.yield %sub3A_269, %while3A_261#1 : i32, i32
      }
      %scan3A_101 = arith.constant 20 : i32
      %scan3A_102 = arith.constant 0 : i32
      %scan3A_103 = arith.constant 0 : i32
      %scan3A_104 = arith.constant 8 : i32
      %scan3A_105 = arith.addi %scan3A_103, %scan3A_104 : i32
      %scan3A_106 = arith.constant 1 : i32
      scf.for %scan3A_206 = %scan3A_103 to %scan3A_105 step %scan3A_106  : i32 {
        %mul3A_207 = arith.constant 16 : i32
        %mul3A_208 = arith.muli %scan3A_206, %mul3A_207 : i32
        %add3A_209 = arith.addi %scan3A_100#0, %mul3A_208 : i32
        %swap3A = arith.index_cast %add3A_209 : i32 to index
        %swap3A_210 = tpu.vector_load %arg13[%swap3A] {strides = array<i32>} : memref<1168xi32, #tpu.memory_space<vmem>>, vector<16xi32>,
        tpu.vector_store %arg13[%swap3A], %broadcast_in_dim3A_15 {strides = array<i32>} : memref<1168xi32, #tpu.memory_space<vmem>>, vector<16xi32>,
        %mul3A_211 = arith.constant 16 : i32
        %mul3A_212 = arith.muli %scan3A_206, %mul3A_211 : i32
        %add3A_213 = arith.addi %scan3A_100#0, %mul3A_212 : i32
        %swap3A_214 = arith.index_cast %add3A_213 : i32 to index
        %swap3A_215 = tpu.vector_load %arg14[%swap3A_214] {strides = array<i32>} : memref<1168xi32, #tpu.memory_space<vmem>>, vector<16xi32>,
        tpu.vector_store %arg14[%swap3A_214], %broadcast_in_dim3A_19 {strides = array<i32>} : memref<1168xi32, #tpu.memory_space<vmem>>, vector<16xi32>,
      }
      %scan3A_107 = arith.constant 8 : i32
      %rem3A_108 = arith.constant 2 : i32
      %rem3A_109 = arith.remsi %scan3A_100#1, %rem3A_108 : i32
      %ge3A_110 = arith.constant 2 : i32
      %ge3A_111 = arith.cmpi sge, %scan3A_100#1, %ge3A_110 : i32
      %convert_element_type3A_112 = arith.extui %ge3A_111 : i1 to i32
      %cond3A_113 = arith.constant 0 : i32
      %cond3A_114 = arith.cmpi ne, %convert_element_type3A_112, %cond3A_113 : i32
      scf.if %cond3A_114 {
        %dma_wait3A_206 = arith.constant 0 : i32
        %dma_wait3A_207 = arith.constant 0 : i32
        %dma_wait3A_208 = tpu.memref_slice %arg17[%rem3A_109, %dma_wait3A_206, %dma_wait3A_207] : memref<2x128x128xf32, #tpu.memory_space<vmem>> -> memref<1x128x128xf32, #tpu.memory_space<vmem>>
        %dma_wait3A_209 = tpu.memref_squeeze %dma_wait3A_208 : memref<1x128x128xf32, #tpu.memory_space<vmem>> -> memref<128x128xf32, #tpu.memory_space<vmem>>
        %dma_wait3A_210 = arith.constant 0 : i32
        %dma_wait3A_211 = tpu.memref_slice %arg16[%rem3A_109, %dma_wait3A_210] : memref<2x128xi32, #tpu.memory_space<vmem>> -> memref<1x128xi32, #tpu.memory_space<vmem>>
        %dma_wait3A_212 = tpu.memref_squeeze %dma_wait3A_211 : memref<1x128xi32, #tpu.memory_space<vmem>> -> memref<128xi32, #tpu.memory_space<vmem>>
        %dma_wait3A_213 = arith.constant 0 : i32
        %dma_wait3A_214 = arith.constant 0 : i32
        %dma_wait3A_215 = tpu.memref_slice %arg8[%dma_wait3A_213, %dma_wait3A_214] : memref<10240x128xf32, #tpu.memory_space<vmem_shared>> -> memref<10240x128xf32, #tpu.memory_space<vmem_shared>>
        %dma_wait3A_216 = tpu.memref_slice %arg22[%rem3A_109] : memref<2x!tpu.dma_semaphore, #tpu.memory_space<semaphore_mem>> -> memref<1x!tpu.dma_semaphore, #tpu.memory_space<semaphore_mem>>
        %dma_wait3A_217 = tpu.memref_squeeze %dma_wait3A_216 : memref<1x!tpu.dma_semaphore, #tpu.memory_space<semaphore_mem>> -> memref<!tpu.dma_semaphore, #tpu.memory_space<semaphore_mem>>
        tpu.wait_indirect_dma semaphore(%dma_wait3A_217 : memref<!tpu.dma_semaphore, #tpu.memory_space<semaphore_mem>>) src(%dma_wait3A_209 : memref<128x128xf32, #tpu.memory_space<vmem>>) dst(%dma_wait3A_215 : memref<10240x128xf32, #tpu.memory_space<vmem_shared>>)
        %dma_wait3A_218 = arith.constant 0 : i32
        %dma_wait3A_219 = tpu.memref_slice %arg16[%rem3A_109, %dma_wait3A_218] : memref<2x128xi32, #tpu.memory_space<vmem>> -> memref<1x128xi32, #tpu.memory_space<vmem>>
        %dma_wait3A_220 = tpu.memref_squeeze %dma_wait3A_219 : memref<1x128xi32, #tpu.memory_space<vmem>> -> memref<128xi32, #tpu.memory_space<vmem>>
        %dma_wait3A_221 = arith.constant 0 : i32
        %dma_wait3A_222 = tpu.memref_slice %arg9[%dma_wait3A_221] : memref<10240xf32, #tpu.memory_space<vmem_shared>> -> memref<10240xf32, #tpu.memory_space<vmem_shared>>
        %dma_wait3A_223 = tpu.memref_slice %arg22[%rem3A_109] : memref<2x!tpu.dma_semaphore, #tpu.memory_space<semaphore_mem>> -> memref<1x!tpu.dma_semaphore, #tpu.memory_space<semaphore_mem>>
        %dma_wait3A_224 = tpu.memref_squeeze %dma_wait3A_223 : memref<1x!tpu.dma_semaphore, #tpu.memory_space<semaphore_mem>> -> memref<!tpu.dma_semaphore, #tpu.memory_space<semaphore_mem>>
        tpu.wait_indirect_dma semaphore(%dma_wait3A_224 : memref<!tpu.dma_semaphore, #tpu.memory_space<semaphore_mem>>) src(%arg18 : memref<128xf32, #tpu.memory_space<vmem>>) dst(%dma_wait3A_222 : memref<10240xf32, #tpu.memory_space<vmem_shared>>)
      } else {
      }
      %multiple_of3A = arith.constant 0 : i32
      %multiple_of3A_115 = tpu.assume_multiple %multiple_of3A, 128 : i32
      %scan3A_116 = arith.constant 0 : i32
      %scan3A_117 = arith.constant 0 : i32
      %scan3A_118 = arith.constant 8 : i32
      %scan3A_119 = arith.addi %scan3A_117, %scan3A_118 : i32
      %scan3A_120 = arith.constant 1 : i32
      scf.for %scan3A_206 = %scan3A_117 to %scan3A_119 step %scan3A_120  : i32 {
        %mul3A_207 = arith.constant 16 : i32
        %mul3A_208 = arith.muli %scan3A_206, %mul3A_207 : i32
        %add3A_209 = arith.addi %multiple_of3A_115, %mul3A_208 : i32
        %get3A = arith.index_cast %add3A_209 : i32 to index
        %get3A_210 = tpu.vector_load %arg13[%get3A] {strides = array<i32>} : memref<1168xi32, #tpu.memory_space<vmem>>, vector<16xi32>,
        %mul3A_211 = arith.constant 16 : i32
        %mul3A_212 = arith.muli %scan3A_206, %mul3A_211 : i32
        %swap3A = arith.index_cast %rem3A_109 : i32 to index
        %swap3A_213 = arith.index_cast %mul3A_212 : i32 to index
        %swap3A_214 = tpu.vector_load %arg15[%swap3A, %swap3A_213] {strides = array<i32>} : memref<2x128xi32, #tpu.memory_space<vmem>>, vector<16xi32>,
        tpu.vector_store %arg15[%swap3A, %swap3A_213], %get3A_210 {strides = array<i32>} : memref<2x128xi32, #tpu.memory_space<vmem>>, vector<16xi32>,
        %mul3A_215 = arith.constant 16 : i32
        %mul3A_216 = arith.muli %scan3A_206, %mul3A_215 : i32
        %add3A_217 = arith.addi %multiple_of3A_115, %mul3A_216 : i32
        %get3A_218 = arith.index_cast %add3A_217 : i32 to index
        %get3A_219 = tpu.vector_load %arg14[%get3A_218] {strides = array<i32>} : memref<1168xi32, #tpu.memory_space<vmem>>, vector<16xi32>,
        %mul3A_220 = arith.constant 16 : i32
        %mul3A_221 = arith.muli %scan3A_206, %mul3A_220 : i32
        %swap3A_222 = arith.index_cast %rem3A_109 : i32 to index
        %swap3A_223 = arith.index_cast %mul3A_221 : i32 to index
        %swap3A_224 = tpu.vector_load %arg16[%swap3A_222, %swap3A_223] {strides = array<i32>} : memref<2x128xi32, #tpu.memory_space<vmem>>, vector<16xi32>,
        tpu.vector_store %arg16[%swap3A_222, %swap3A_223], %get3A_219 {strides = array<i32>} : memref<2x128xi32, #tpu.memory_space<vmem>>, vector<16xi32>,
      }
      %scan3A_121 = arith.constant 8 : i32
      %dma_start3A_122 = arith.constant 0 : i32
      %dma_start3A_123 = arith.constant 0 : i32
      %dma_start3A_124 = tpu.memref_slice %arg17[%rem3A_109, %dma_start3A_122, %dma_start3A_123] : memref<2x128x128xf32, #tpu.memory_space<vmem>> -> memref<1x128x128xf32, #tpu.memory_space<vmem>>
      %dma_start3A_125 = tpu.memref_squeeze %dma_start3A_124 : memref<1x128x128xf32, #tpu.memory_space<vmem>> -> memref<128x128xf32, #tpu.memory_space<vmem>>
      %dma_start3A_126 = arith.constant 0 : i32
      %dma_start3A_127 = tpu.memref_slice %arg15[%rem3A_109, %dma_start3A_126] : memref<2x128xi32, #tpu.memory_space<vmem>> -> memref<1x128xi32, #tpu.memory_space<vmem>>
      %dma_start3A_128 = tpu.memref_squeeze %dma_start3A_127 : memref<1x128xi32, #tpu.memory_space<vmem>> -> memref<128xi32, #tpu.memory_space<vmem>>
      %dma_start3A_129 = arith.constant 0 : i32
      %dma_start3A_130 = arith.constant 0 : i32
      %dma_start3A_131 = tpu.memref_slice %arg2[%dma_start3A_129, %dma_start3A_130] : memref<10000x128xf32, #tpu.memory_space<hbm>> -> memref<10000x128xf32, #tpu.memory_space<hbm>>
      %dma_start3A_132 = tpu.memref_slice %arg20[%rem3A_109] : memref<2x!tpu.dma_semaphore, #tpu.memory_space<semaphore_mem>> -> memref<1x!tpu.dma_semaphore, #tpu.memory_space<semaphore_mem>>
      %dma_start3A_133 = tpu.memref_squeeze %dma_start3A_132 : memref<1x!tpu.dma_semaphore, #tpu.memory_space<semaphore_mem>> -> memref<!tpu.dma_semaphore, #tpu.memory_space<semaphore_mem>>
      tpu.enqueue_indirect_dma source(%dma_start3A_131 : memref<10000x128xf32, #tpu.memory_space<hbm>>) target(%dma_start3A_125 : memref<128x128xf32, #tpu.memory_space<vmem>>) offsets(%dma_start3A_128 : memref<128xi32, #tpu.memory_space<vmem>>) semaphore(%dma_start3A_133 : memref<!tpu.dma_semaphore, #tpu.memory_space<semaphore_mem>>)
      %add3A_134 = arith.constant 1 : i32
      %add3A_135 = arith.addi %scan3A_100#1, %add3A_134 : i32
      %ge3A_136 = arith.constant 2 : i32
      %ge3A_137 = arith.cmpi sge, %add3A_135, %ge3A_136 : i32
      %convert_element_type3A_138 = arith.extui %ge3A_137 : i1 to i32
      %cond3A_139 = arith.constant 0 : i32
      %cond3A_140 = arith.cmpi ne, %convert_element_type3A_138, %cond3A_139 : i32
      scf.if %cond3A_140 {
        %sub3A_206 = arith.constant 2 : i32
        %sub3A_207 = arith.subi %add3A_135, %sub3A_206 : i32
        %rem3A_208 = arith.constant 2 : i32
        %rem3A_209 = arith.remsi %sub3A_207, %rem3A_208 : i32
        %dma_wait3A_210 = arith.constant 0 : i32
        %dma_wait3A_211 = arith.constant 0 : i32
        %dma_wait3A_212 = tpu.memref_slice %arg17[%rem3A_209, %dma_wait3A_210, %dma_wait3A_211] : memref<2x128x128xf32, #tpu.memory_space<vmem>> -> memref<1x128x128xf32, #tpu.memory_space<vmem>>
        %dma_wait3A_213 = tpu.memref_squeeze %dma_wait3A_212 : memref<1x128x128xf32, #tpu.memory_space<vmem>> -> memref<128x128xf32, #tpu.memory_space<vmem>>
        %dma_wait3A_214 = arith.constant 0 : i32
        %dma_wait3A_215 = tpu.memref_slice %arg15[%rem3A_209, %dma_wait3A_214] : memref<2x128xi32, #tpu.memory_space<vmem>> -> memref<1x128xi32, #tpu.memory_space<vmem>>
        %dma_wait3A_216 = tpu.memref_squeeze %dma_wait3A_215 : memref<1x128xi32, #tpu.memory_space<vmem>> -> memref<128xi32, #tpu.memory_space<vmem>>
        %dma_wait3A_217 = arith.constant 0 : i32
        %dma_wait3A_218 = arith.constant 0 : i32
        %dma_wait3A_219 = tpu.memref_slice %arg2[%dma_wait3A_217, %dma_wait3A_218] : memref<10000x128xf32, #tpu.memory_space<hbm>> -> memref<10000x128xf32, #tpu.memory_space<hbm>>
        %dma_wait3A_220 = tpu.memref_slice %arg20[%rem3A_209] : memref<2x!tpu.dma_semaphore, #tpu.memory_space<semaphore_mem>> -> memref<1x!tpu.dma_semaphore, #tpu.memory_space<semaphore_mem>>
        %dma_wait3A_221 = tpu.memref_squeeze %dma_wait3A_220 : memref<1x!tpu.dma_semaphore, #tpu.memory_space<semaphore_mem>> -> memref<!tpu.dma_semaphore, #tpu.memory_space<semaphore_mem>>
        tpu.wait_indirect_dma semaphore(%dma_wait3A_221 : memref<!tpu.dma_semaphore, #tpu.memory_space<semaphore_mem>>) src(%dma_wait3A_219 : memref<10000x128xf32, #tpu.memory_space<hbm>>) dst(%dma_wait3A_213 : memref<128x128xf32, #tpu.memory_space<vmem>>)
        %dma_start3A_222 = arith.constant 0 : i32
        %dma_start3A_223 = arith.constant 0 : i32
        %dma_start3A_224 = tpu.memref_slice %arg17[%rem3A_209, %dma_start3A_222, %dma_start3A_223] : memref<2x128x128xf32, #tpu.memory_space<vmem>> -> memref<1x128x128xf32, #tpu.memory_space<vmem>>
        %dma_start3A_225 = tpu.memref_squeeze %dma_start3A_224 : memref<1x128x128xf32, #tpu.memory_space<vmem>> -> memref<128x128xf32, #tpu.memory_space<vmem>>
        %dma_start3A_226 = arith.constant 0 : i32
        %dma_start3A_227 = tpu.memref_slice %arg16[%rem3A_209, %dma_start3A_226] : memref<2x128xi32, #tpu.memory_space<vmem>> -> memref<1x128xi32, #tpu.memory_space<vmem>>
        %dma_start3A_228 = tpu.memref_squeeze %dma_start3A_227 : memref<1x128xi32, #tpu.memory_space<vmem>> -> memref<128xi32, #tpu.memory_space<vmem>>
        %dma_start3A_229 = arith.constant 0 : i32
        %dma_start3A_230 = arith.constant 0 : i32
        %dma_start3A_231 = tpu.memref_slice %arg8[%dma_start3A_229, %dma_start3A_230] : memref<10240x128xf32, #tpu.memory_space<vmem_shared>> -> memref<10240x128xf32, #tpu.memory_space<vmem_shared>>
        %dma_start3A_232 = tpu.memref_slice %arg22[%rem3A_209] : memref<2x!tpu.dma_semaphore, #tpu.memory_space<semaphore_mem>> -> memref<1x!tpu.dma_semaphore, #tpu.memory_space<semaphore_mem>>
        %dma_start3A_233 = tpu.memref_squeeze %dma_start3A_232 : memref<1x!tpu.dma_semaphore, #tpu.memory_space<semaphore_mem>> -> memref<!tpu.dma_semaphore, #tpu.memory_space<semaphore_mem>>
        tpu.enqueue_indirect_dma source(%dma_start3A_225 : memref<128x128xf32, #tpu.memory_space<vmem>>) target(%dma_start3A_231 : memref<10240x128xf32, #tpu.memory_space<vmem_shared>>) offsets(%dma_start3A_228 : memref<128xi32, #tpu.memory_space<vmem>>) semaphore(%dma_start3A_233 : memref<!tpu.dma_semaphore, #tpu.memory_space<semaphore_mem>>) {add = true}
        %dma_start3A_234 = arith.constant 0 : i32
        %dma_start3A_235 = tpu.memref_slice %arg16[%rem3A_209, %dma_start3A_234] : memref<2x128xi32, #tpu.memory_space<vmem>> -> memref<1x128xi32, #tpu.memory_space<vmem>>
        %dma_start3A_236 = tpu.memref_squeeze %dma_start3A_235 : memref<1x128xi32, #tpu.memory_space<vmem>> -> memref<128xi32, #tpu.memory_space<vmem>>
        %dma_start3A_237 = arith.constant 0 : i32
        %dma_start3A_238 = tpu.memref_slice %arg9[%dma_start3A_237] : memref<10240xf32, #tpu.memory_space<vmem_shared>> -> memref<10240xf32, #tpu.memory_space<vmem_shared>>
        %dma_start3A_239 = tpu.memref_slice %arg22[%rem3A_209] : memref<2x!tpu.dma_semaphore, #tpu.memory_space<semaphore_mem>> -> memref<1x!tpu.dma_semaphore, #tpu.memory_space<semaphore_mem>>
        %dma_start3A_240 = tpu.memref_squeeze %dma_start3A_239 : memref<1x!tpu.dma_semaphore, #tpu.memory_space<semaphore_mem>> -> memref<!tpu.dma_semaphore, #tpu.memory_space<semaphore_mem>>
        tpu.enqueue_indirect_dma source(%arg18 : memref<128xf32, #tpu.memory_space<vmem>>) target(%dma_start3A_238 : memref<10240xf32, #tpu.memory_space<vmem_shared>>) offsets(%dma_start3A_236 : memref<128xi32, #tpu.memory_space<vmem>>) semaphore(%dma_start3A_240 : memref<!tpu.dma_semaphore, #tpu.memory_space<semaphore_mem>>) {add = true}
      } else {
      }
      %sub3A = arith.constant 1 : i32
      %sub3A_141 = arith.subi %add3A_135, %sub3A : i32
      %rem3A_142 = arith.constant 2 : i32
      %rem3A_143 = arith.remsi %sub3A_141, %rem3A_142 : i32
      %dma_wait3A = arith.constant 0 : i32
      %dma_wait3A_144 = arith.constant 0 : i32
      %dma_wait3A_145 = tpu.memref_slice %arg17[%rem3A_143, %dma_wait3A, %dma_wait3A_144] : memref<2x128x128xf32, #tpu.memory_space<vmem>> -> memref<1x128x128xf32, #tpu.memory_space<vmem>>
      %dma_wait3A_146 = tpu.memref_squeeze %dma_wait3A_145 : memref<1x128x128xf32, #tpu.memory_space<vmem>> -> memref<128x128xf32, #tpu.memory_space<vmem>>
      %dma_wait3A_147 = arith.constant 0 : i32
      %dma_wait3A_148 = tpu.memref_slice %arg15[%rem3A_143, %dma_wait3A_147] : memref<2x128xi32, #tpu.memory_space<vmem>> -> memref<1x128xi32, #tpu.memory_space<vmem>>
      %dma_wait3A_149 = tpu.memref_squeeze %dma_wait3A_148 : memref<1x128xi32, #tpu.memory_space<vmem>> -> memref<128xi32, #tpu.memory_space<vmem>>
      %dma_wait3A_150 = arith.constant 0 : i32
      %dma_wait3A_151 = arith.constant 0 : i32
      %dma_wait3A_152 = tpu.memref_slice %arg2[%dma_wait3A_150, %dma_wait3A_151] : memref<10000x128xf32, #tpu.memory_space<hbm>> -> memref<10000x128xf32, #tpu.memory_space<hbm>>
      %dma_wait3A_153 = tpu.memref_slice %arg20[%rem3A_143] : memref<2x!tpu.dma_semaphore, #tpu.memory_space<semaphore_mem>> -> memref<1x!tpu.dma_semaphore, #tpu.memory_space<semaphore_mem>>
      %dma_wait3A_154 = tpu.memref_squeeze %dma_wait3A_153 : memref<1x!tpu.dma_semaphore, #tpu.memory_space<semaphore_mem>> -> memref<!tpu.dma_semaphore, #tpu.memory_space<semaphore_mem>>
      tpu.wait_indirect_dma semaphore(%dma_wait3A_154 : memref<!tpu.dma_semaphore, #tpu.memory_space<semaphore_mem>>) src(%dma_wait3A_152 : memref<10000x128xf32, #tpu.memory_space<hbm>>) dst(%dma_wait3A_146 : memref<128x128xf32, #tpu.memory_space<vmem>>)
      %dma_start3A_155 = arith.constant 0 : i32
      %dma_start3A_156 = arith.constant 0 : i32
      %dma_start3A_157 = tpu.memref_slice %arg17[%rem3A_143, %dma_start3A_155, %dma_start3A_156] : memref<2x128x128xf32, #tpu.memory_space<vmem>> -> memref<1x128x128xf32, #tpu.memory_space<vmem>>
      %dma_start3A_158 = tpu.memref_squeeze %dma_start3A_157 : memref<1x128x128xf32, #tpu.memory_space<vmem>> -> memref<128x128xf32, #tpu.memory_space<vmem>>
      %dma_start3A_159 = arith.constant 0 : i32
      %dma_start3A_160 = tpu.memref_slice %arg16[%rem3A_143, %dma_start3A_159] : memref<2x128xi32, #tpu.memory_space<vmem>> -> memref<1x128xi32, #tpu.memory_space<vmem>>
      %dma_start3A_161 = tpu.memref_squeeze %dma_start3A_160 : memref<1x128xi32, #tpu.memory_space<vmem>> -> memref<128xi32, #tpu.memory_space<vmem>>
      %dma_start3A_162 = arith.constant 0 : i32
      %dma_start3A_163 = arith.constant 0 : i32
      %dma_start3A_164 = tpu.memref_slice %arg8[%dma_start3A_162, %dma_start3A_163] : memref<10240x128xf32, #tpu.memory_space<vmem_shared>> -> memref<10240x128xf32, #tpu.memory_space<vmem_shared>>
      %dma_start3A_165 = tpu.memref_slice %arg22[%rem3A_143] : memref<2x!tpu.dma_semaphore, #tpu.memory_space<semaphore_mem>> -> memref<1x!tpu.dma_semaphore, #tpu.memory_space<semaphore_mem>>
      %dma_start3A_166 = tpu.memref_squeeze %dma_start3A_165 : memref<1x!tpu.dma_semaphore, #tpu.memory_space<semaphore_mem>> -> memref<!tpu.dma_semaphore, #tpu.memory_space<semaphore_mem>>
      tpu.enqueue_indirect_dma source(%dma_start3A_158 : memref<128x128xf32, #tpu.memory_space<vmem>>) target(%dma_start3A_164 : memref<10240x128xf32, #tpu.memory_space<vmem_shared>>) offsets(%dma_start3A_161 : memref<128xi32, #tpu.memory_space<vmem>>) semaphore(%dma_start3A_166 : memref<!tpu.dma_semaphore, #tpu.memory_space<semaphore_mem>>) {add = true}
      %dma_start3A_167 = arith.constant 0 : i32
      %dma_start3A_168 = tpu.memref_slice %arg16[%rem3A_143, %dma_start3A_167] : memref<2x128xi32, #tpu.memory_space<vmem>> -> memref<1x128xi32, #tpu.memory_space<vmem>>
      %dma_start3A_169 = tpu.memref_squeeze %dma_start3A_168 : memref<1x128xi32, #tpu.memory_space<vmem>> -> memref<128xi32, #tpu.memory_space<vmem>>
      %dma_start3A_170 = arith.constant 0 : i32
      %dma_start3A_171 = tpu.memref_slice %arg9[%dma_start3A_170] : memref<10240xf32, #tpu.memory_space<vmem_shared>> -> memref<10240xf32, #tpu.memory_space<vmem_shared>>
      %dma_start3A_172 = tpu.memref_slice %arg22[%rem3A_143] : memref<2x!tpu.dma_semaphore, #tpu.memory_space<semaphore_mem>> -> memref<1x!tpu.dma_semaphore, #tpu.memory_space<semaphore_mem>>
      %dma_start3A_173 = tpu.memref_squeeze %dma_start3A_172 : memref<1x!tpu.dma_semaphore, #tpu.memory_space<semaphore_mem>> -> memref<!tpu.dma_semaphore, #tpu.memory_space<semaphore_mem>>
      tpu.enqueue_indirect_dma source(%arg18 : memref<128xf32, #tpu.memory_space<vmem>>) target(%dma_start3A_171 : memref<10240xf32, #tpu.memory_space<vmem_shared>>) offsets(%dma_start3A_169 : memref<128xi32, #tpu.memory_space<vmem>>) semaphore(%dma_start3A_173 : memref<!tpu.dma_semaphore, #tpu.memory_space<semaphore_mem>>) {add = true}
      %ge3A_174 = arith.constant 2 : i32
      %ge3A_175 = arith.cmpi sge, %add3A_135, %ge3A_174 : i32
      %convert_element_type3A_176 = arith.extui %ge3A_175 : i1 to i32
      %cond3A_177 = arith.constant 0 : i32
      %cond3A_178 = arith.cmpi ne, %convert_element_type3A_176, %cond3A_177 : i32
      scf.if %cond3A_178 {
        %rem3A_206 = arith.constant 2 : i32
        %rem3A_207 = arith.remsi %add3A_135, %rem3A_206 : i32
        %dma_wait3A_208 = arith.constant 0 : i32
        %dma_wait3A_209 = arith.constant 0 : i32
        %dma_wait3A_210 = tpu.memref_slice %arg17[%rem3A_207, %dma_wait3A_208, %dma_wait3A_209] : memref<2x128x128xf32, #tpu.memory_space<vmem>> -> memref<1x128x128xf32, #tpu.memory_space<vmem>>
        %dma_wait3A_211 = tpu.memref_squeeze %dma_wait3A_210 : memref<1x128x128xf32, #tpu.memory_space<vmem>> -> memref<128x128xf32, #tpu.memory_space<vmem>>
        %dma_wait3A_212 = arith.constant 0 : i32
        %dma_wait3A_213 = tpu.memref_slice %arg16[%rem3A_207, %dma_wait3A_212] : memref<2x128xi32, #tpu.memory_space<vmem>> -> memref<1x128xi32, #tpu.memory_space<vmem>>
        %dma_wait3A_214 = tpu.memref_squeeze %dma_wait3A_213 : memref<1x128xi32, #tpu.memory_space<vmem>> -> memref<128xi32, #tpu.memory_space<vmem>>
        %dma_wait3A_215 = arith.constant 0 : i32
        %dma_wait3A_216 = arith.constant 0 : i32
        %dma_wait3A_217 = tpu.memref_slice %arg8[%dma_wait3A_215, %dma_wait3A_216] : memref<10240x128xf32, #tpu.memory_space<vmem_shared>> -> memref<10240x128xf32, #tpu.memory_space<vmem_shared>>
        %dma_wait3A_218 = tpu.memref_slice %arg22[%rem3A_207] : memref<2x!tpu.dma_semaphore, #tpu.memory_space<semaphore_mem>> -> memref<1x!tpu.dma_semaphore, #tpu.memory_space<semaphore_mem>>
        %dma_wait3A_219 = tpu.memref_squeeze %dma_wait3A_218 : memref<1x!tpu.dma_semaphore, #tpu.memory_space<semaphore_mem>> -> memref<!tpu.dma_semaphore, #tpu.memory_space<semaphore_mem>>
        tpu.wait_indirect_dma semaphore(%dma_wait3A_219 : memref<!tpu.dma_semaphore, #tpu.memory_space<semaphore_mem>>) src(%dma_wait3A_211 : memref<128x128xf32, #tpu.memory_space<vmem>>) dst(%dma_wait3A_217 : memref<10240x128xf32, #tpu.memory_space<vmem_shared>>)
        %dma_wait3A_220 = arith.constant 0 : i32
        %dma_wait3A_221 = tpu.memref_slice %arg16[%rem3A_207, %dma_wait3A_220] : memref<2x128xi32, #tpu.memory_space<vmem>> -> memref<1x128xi32, #tpu.memory_space<vmem>>
        %dma_wait3A_222 = tpu.memref_squeeze %dma_wait3A_221 : memref<1x128xi32, #tpu.memory_space<vmem>> -> memref<128xi32, #tpu.memory_space<vmem>>
        %dma_wait3A_223 = arith.constant 0 : i32
        %dma_wait3A_224 = tpu.memref_slice %arg9[%dma_wait3A_223] : memref<10240xf32, #tpu.memory_space<vmem_shared>> -> memref<10240xf32, #tpu.memory_space<vmem_shared>>
        %dma_wait3A_225 = tpu.memref_slice %arg22[%rem3A_207] : memref<2x!tpu.dma_semaphore, #tpu.memory_space<semaphore_mem>> -> memref<1x!tpu.dma_semaphore, #tpu.memory_space<semaphore_mem>>
        %dma_wait3A_226 = tpu.memref_squeeze %dma_wait3A_225 : memref<1x!tpu.dma_semaphore, #tpu.memory_space<semaphore_mem>> -> memref<!tpu.dma_semaphore, #tpu.memory_space<semaphore_mem>>
        tpu.wait_indirect_dma semaphore(%dma_wait3A_226 : memref<!tpu.dma_semaphore, #tpu.memory_space<semaphore_mem>>) src(%arg18 : memref<128xf32, #tpu.memory_space<vmem>>) dst(%dma_wait3A_224 : memref<10240xf32, #tpu.memory_space<vmem_shared>>)
      } else {
      }
      %sub3A_179 = arith.constant 1 : i32
      %sub3A_180 = arith.subi %add3A_135, %sub3A_179 : i32
      %rem3A_181 = arith.constant 2 : i32
      %rem3A_182 = arith.remsi %sub3A_180, %rem3A_181 : i32
      %dma_wait3A_183 = arith.constant 0 : i32
      %dma_wait3A_184 = arith.constant 0 : i32
      %dma_wait3A_185 = tpu.memref_slice %arg17[%rem3A_182, %dma_wait3A_183, %dma_wait3A_184] : memref<2x128x128xf32, #tpu.memory_space<vmem>> -> memref<1x128x128xf32, #tpu.memory_space<vmem>>
      %dma_wait3A_186 = tpu.memref_squeeze %dma_wait3A_185 : memref<1x128x128xf32, #tpu.memory_space<vmem>> -> memref<128x128xf32, #tpu.memory_space<vmem>>
      %dma_wait3A_187 = arith.constant 0 : i32
      %dma_wait3A_188 = tpu.memref_slice %arg16[%rem3A_182, %dma_wait3A_187] : memref<2x128xi32, #tpu.memory_space<vmem>> -> memref<1x128xi32, #tpu.memory_space<vmem>>
      %dma_wait3A_189 = tpu.memref_squeeze %dma_wait3A_188 : memref<1x128xi32, #tpu.memory_space<vmem>> -> memref<128xi32, #tpu.memory_space<vmem>>
      %dma_wait3A_190 = arith.constant 0 : i32
      %dma_wait3A_191 = arith.constant 0 : i32
      %dma_wait3A_192 = tpu.memref_slice %arg8[%dma_wait3A_190, %dma_wait3A_191] : memref<10240x128xf32, #tpu.memory_space<vmem_shared>> -> memref<10240x128xf32, #tpu.memory_space<vmem_shared>>
      %dma_wait3A_193 = tpu.memref_slice %arg22[%rem3A_182] : memref<2x!tpu.dma_semaphore, #tpu.memory_space<semaphore_mem>> -> memref<1x!tpu.dma_semaphore, #tpu.memory_space<semaphore_mem>>
      %dma_wait3A_194 = tpu.memref_squeeze %dma_wait3A_193 : memref<1x!tpu.dma_semaphore, #tpu.memory_space<semaphore_mem>> -> memref<!tpu.dma_semaphore, #tpu.memory_space<semaphore_mem>>
      tpu.wait_indirect_dma semaphore(%dma_wait3A_194 : memref<!tpu.dma_semaphore, #tpu.memory_space<semaphore_mem>>) src(%dma_wait3A_186 : memref<128x128xf32, #tpu.memory_space<vmem>>) dst(%dma_wait3A_192 : memref<10240x128xf32, #tpu.memory_space<vmem_shared>>)
      %dma_wait3A_195 = arith.constant 0 : i32
      %dma_wait3A_196 = tpu.memref_slice %arg16[%rem3A_182, %dma_wait3A_195] : memref<2x128xi32, #tpu.memory_space<vmem>> -> memref<1x128xi32, #tpu.memory_space<vmem>>
      %dma_wait3A_197 = tpu.memref_squeeze %dma_wait3A_196 : memref<1x128xi32, #tpu.memory_space<vmem>> -> memref<128xi32, #tpu.memory_space<vmem>>
      %dma_wait3A_198 = arith.constant 0 : i32
      %dma_wait3A_199 = tpu.memref_slice %arg9[%dma_wait3A_198] : memref<10240xf32, #tpu.memory_space<vmem_shared>> -> memref<10240xf32, #tpu.memory_space<vmem_shared>>
      %dma_wait3A_200 = tpu.memref_slice %arg22[%rem3A_182] : memref<2x!tpu.dma_semaphore, #tpu.memory_space<semaphore_mem>> -> memref<1x!tpu.dma_semaphore, #tpu.memory_space<semaphore_mem>>
      %dma_wait3A_201 = tpu.memref_squeeze %dma_wait3A_200 : memref<1x!tpu.dma_semaphore, #tpu.memory_space<semaphore_mem>> -> memref<!tpu.dma_semaphore, #tpu.memory_space<semaphore_mem>>
      tpu.wait_indirect_dma semaphore(%dma_wait3A_201 : memref<!tpu.dma_semaphore, #tpu.memory_space<semaphore_mem>>) src(%arg18 : memref<128xf32, #tpu.memory_space<vmem>>) dst(%dma_wait3A_199 : memref<10240xf32, #tpu.memory_space<vmem_shared>>)
      %barrier3A_202 = arith.constant 0 : index
      tpu.barrier barrier_id(%barrier3A_202)
      %convert_element_type3A_203 = arith.extui %and3A_49 : i1 to i32
      %cond3A_204 = arith.constant 0 : i32
      %cond3A_205 = arith.cmpi ne, %convert_element_type3A_203, %cond3A_204 : i32
      scf.if %cond3A_205 {
        %mul3A_206 = arith.constant 640 : i32
        %mul3A_207 = arith.muli %arg1, %mul3A_206 : i32
        %add3A_208 = arith.constant 0 : i32
        %add3A_209 = arith.addi %mul3A_207, %add3A_208 : i32
        %mul3A_210 = arith.constant 640 : i32
        %mul3A_211 = arith.muli %arg1, %mul3A_210 : i32
        %add3A_212 = arith.constant 0 : i32
        %add3A_213 = arith.addi %mul3A_211, %add3A_212 : i32
        %dma_start3A_214 = arith.constant 0 : i32
        %dma_start3A_215 = tpu.memref_slice %arg6[%select_n3A, %add3A_213, %dma_start3A_214] : memref<7x10240x128xf32, #tpu.memory_space<hbm>> -> memref<1x128x128xf32, #tpu.memory_space<hbm>>
        %dma_start3A_216 = tpu.memref_squeeze %dma_start3A_215 : memref<1x128x128xf32, #tpu.memory_space<hbm>> -> memref<128x128xf32, #tpu.memory_space<hbm>>
        %dma_start3A_217 = arith.constant 0 : i32
        %dma_start3A_218 = tpu.memref_slice %arg8[%add3A_209, %dma_start3A_217] : memref<10240x128xf32, #tpu.memory_space<vmem_shared>> -> memref<128x128xf32, #tpu.memory_space<vmem_shared>>
        tpu.enqueue_dma source(%dma_start3A_218 : memref<128x128xf32, #tpu.memory_space<vmem_shared>>) target(%dma_start3A_216 : memref<128x128xf32, #tpu.memory_space<hbm>>) target_semaphore(%arg23 : memref<!tpu.dma_semaphore, #tpu.memory_space<semaphore_mem>>)
        %mul3A_219 = arith.constant 640 : i32
        %mul3A_220 = arith.muli %arg1, %mul3A_219 : i32
        %add3A_221 = arith.constant 128 : i32
        %add3A_222 = arith.addi %mul3A_220, %add3A_221 : i32
        %mul3A_223 = arith.constant 640 : i32
        %mul3A_224 = arith.muli %arg1, %mul3A_223 : i32
        %add3A_225 = arith.constant 128 : i32
        %add3A_226 = arith.addi %mul3A_224, %add3A_225 : i32
        %dma_start3A_227 = arith.constant 0 : i32
        %dma_start3A_228 = tpu.memref_slice %arg6[%select_n3A, %add3A_226, %dma_start3A_227] : memref<7x10240x128xf32, #tpu.memory_space<hbm>> -> memref<1x128x128xf32, #tpu.memory_space<hbm>>
        %dma_start3A_229 = tpu.memref_squeeze %dma_start3A_228 : memref<1x128x128xf32, #tpu.memory_space<hbm>> -> memref<128x128xf32, #tpu.memory_space<hbm>>
        %dma_start3A_230 = arith.constant 0 : i32
        %dma_start3A_231 = tpu.memref_slice %arg8[%add3A_222, %dma_start3A_230] : memref<10240x128xf32, #tpu.memory_space<vmem_shared>> -> memref<128x128xf32, #tpu.memory_space<vmem_shared>>
        tpu.enqueue_dma source(%dma_start3A_231 : memref<128x128xf32, #tpu.memory_space<vmem_shared>>) target(%dma_start3A_229 : memref<128x128xf32, #tpu.memory_space<hbm>>) target_semaphore(%arg23 : memref<!tpu.dma_semaphore, #tpu.memory_space<semaphore_mem>>)
        %mul3A_232 = arith.constant 640 : i32
        %mul3A_233 = arith.muli %arg1, %mul3A_232 : i32
        %add3A_234 = arith.constant 256 : i32
        %add3A_235 = arith.addi %mul3A_233, %add3A_234 : i32
        %mul3A_236 = arith.constant 640 : i32
        %mul3A_237 = arith.muli %arg1, %mul3A_236 : i32
        %add3A_238 = arith.constant 256 : i32
        %add3A_239 = arith.addi %mul3A_237, %add3A_238 : i32
        %dma_start3A_240 = arith.constant 0 : i32
        %dma_start3A_241 = tpu.memref_slice %arg6[%select_n3A, %add3A_239, %dma_start3A_240] : memref<7x10240x128xf32, #tpu.memory_space<hbm>> -> memref<1x128x128xf32, #tpu.memory_space<hbm>>
        %dma_start3A_242 = tpu.memref_squeeze %dma_start3A_241 : memref<1x128x128xf32, #tpu.memory_space<hbm>> -> memref<128x128xf32, #tpu.memory_space<hbm>>
        %dma_start3A_243 = arith.constant 0 : i32
        %dma_start3A_244 = tpu.memref_slice %arg8[%add3A_235, %dma_start3A_243] : memref<10240x128xf32, #tpu.memory_space<vmem_shared>> -> memref<128x128xf32, #tpu.memory_space<vmem_shared>>
        tpu.enqueue_dma source(%dma_start3A_244 : memref<128x128xf32, #tpu.memory_space<vmem_shared>>) target(%dma_start3A_242 : memref<128x128xf32, #tpu.memory_space<hbm>>) target_semaphore(%arg23 : memref<!tpu.dma_semaphore, #tpu.memory_space<semaphore_mem>>)
        %mul3A_245 = arith.constant 640 : i32
        %mul3A_246 = arith.muli %arg1, %mul3A_245 : i32
        %add3A_247 = arith.constant 384 : i32
        %add3A_248 = arith.addi %mul3A_246, %add3A_247 : i32
        %mul3A_249 = arith.constant 640 : i32
        %mul3A_250 = arith.muli %arg1, %mul3A_249 : i32
        %add3A_251 = arith.constant 384 : i32
        %add3A_252 = arith.addi %mul3A_250, %add3A_251 : i32
        %dma_start3A_253 = arith.constant 0 : i32
        %dma_start3A_254 = tpu.memref_slice %arg6[%select_n3A, %add3A_252, %dma_start3A_253] : memref<7x10240x128xf32, #tpu.memory_space<hbm>> -> memref<1x128x128xf32, #tpu.memory_space<hbm>>
        %dma_start3A_255 = tpu.memref_squeeze %dma_start3A_254 : memref<1x128x128xf32, #tpu.memory_space<hbm>> -> memref<128x128xf32, #tpu.memory_space<hbm>>
        %dma_start3A_256 = arith.constant 0 : i32
        %dma_start3A_257 = tpu.memref_slice %arg8[%add3A_248, %dma_start3A_256] : memref<10240x128xf32, #tpu.memory_space<vmem_shared>> -> memref<128x128xf32, #tpu.memory_space<vmem_shared>>
        tpu.enqueue_dma source(%dma_start3A_257 : memref<128x128xf32, #tpu.memory_space<vmem_shared>>) target(%dma_start3A_255 : memref<128x128xf32, #tpu.memory_space<hbm>>) target_semaphore(%arg23 : memref<!tpu.dma_semaphore, #tpu.memory_space<semaphore_mem>>)
        %mul3A_258 = arith.constant 640 : i32
        %mul3A_259 = arith.muli %arg1, %mul3A_258 : i32
        %add3A_260 = arith.constant 512 : i32
        %add3A_261 = arith.addi %mul3A_259, %add3A_260 : i32
        %mul3A_262 = arith.constant 640 : i32
        %mul3A_263 = arith.muli %arg1, %mul3A_262 : i32
        %add3A_264 = arith.constant 512 : i32
        %add3A_265 = arith.addi %mul3A_263, %add3A_264 : i32
        %dma_start3A_266 = arith.constant 0 : i32
        %dma_start3A_267 = tpu.memref_slice %arg6[%select_n3A, %add3A_265, %dma_start3A_266] : memref<7x10240x128xf32, #tpu.memory_space<hbm>> -> memref<1x128x128xf32, #tpu.memory_space<hbm>>
        %dma_start3A_268 = tpu.memref_squeeze %dma_start3A_267 : memref<1x128x128xf32, #tpu.memory_space<hbm>> -> memref<128x128xf32, #tpu.memory_space<hbm>>
        %dma_start3A_269 = arith.constant 0 : i32
        %dma_start3A_270 = tpu.memref_slice %arg8[%add3A_261, %dma_start3A_269] : memref<10240x128xf32, #tpu.memory_space<vmem_shared>> -> memref<128x128xf32, #tpu.memory_space<vmem_shared>>
        tpu.enqueue_dma source(%dma_start3A_270 : memref<128x128xf32, #tpu.memory_space<vmem_shared>>) target(%dma_start3A_268 : memref<128x128xf32, #tpu.memory_space<hbm>>) target_semaphore(%arg23 : memref<!tpu.dma_semaphore, #tpu.memory_space<semaphore_mem>>)
        %mul3A_271 = arith.constant 640 : i32
        %mul3A_272 = arith.muli %arg1, %mul3A_271 : i32
        %mul3A_273 = arith.constant 640 : i32
        %mul3A_274 = arith.muli %arg1, %mul3A_273 : i32
        %dma_start3A_275 = tpu.memref_slice %arg7[%select_n3A, %mul3A_274] : memref<7x10240xf32, #tpu.memory_space<hbm>> -> memref<1x640xf32, #tpu.memory_space<hbm>>
        %dma_start3A_276 = tpu.memref_squeeze %dma_start3A_275 : memref<1x640xf32, #tpu.memory_space<hbm>> -> memref<640xf32, #tpu.memory_space<hbm>>
        %dma_start3A_277 = tpu.memref_slice %arg9[%mul3A_272] : memref<10240xf32, #tpu.memory_space<vmem_shared>> -> memref<640xf32, #tpu.memory_space<vmem_shared>>
        tpu.enqueue_dma source(%dma_start3A_277 : memref<640xf32, #tpu.memory_space<vmem_shared>>) target(%dma_start3A_276 : memref<640xf32, #tpu.memory_space<hbm>>) target_semaphore(%arg23 : memref<!tpu.dma_semaphore, #tpu.memory_space<semaphore_mem>>)
        %mul3A_278 = arith.constant 640 : i32
        %mul3A_279 = arith.muli %arg1, %mul3A_278 : i32
        %add3A_280 = arith.constant 0 : i32
        %add3A_281 = arith.addi %mul3A_279, %add3A_280 : i32
        %mul3A_282 = arith.constant 640 : i32
        %mul3A_283 = arith.muli %arg1, %mul3A_282 : i32
        %add3A_284 = arith.constant 0 : i32
        %add3A_285 = arith.addi %mul3A_283, %add3A_284 : i32
        %dma_wait3A_286 = arith.constant 0 : i32
        %dma_wait3A_287 = tpu.memref_slice %arg6[%select_n3A, %add3A_285, %dma_wait3A_286] : memref<7x10240x128xf32, #tpu.memory_space<hbm>> -> memref<1x128x128xf32, #tpu.memory_space<hbm>>
        %dma_wait3A_288 = tpu.memref_squeeze %dma_wait3A_287 : memref<1x128x128xf32, #tpu.memory_space<hbm>> -> memref<128x128xf32, #tpu.memory_space<hbm>>
        %dma_wait3A_289 = arith.constant 0 : i32
        %dma_wait3A_290 = tpu.memref_slice %arg8[%add3A_281, %dma_wait3A_289] : memref<10240x128xf32, #tpu.memory_space<vmem_shared>> -> memref<128x128xf32, #tpu.memory_space<vmem_shared>>
        tpu.wait_dma2 semaphore(%arg23 : memref<!tpu.dma_semaphore, #tpu.memory_space<semaphore_mem>>) src(%dma_wait3A_290 : memref<128x128xf32, #tpu.memory_space<vmem_shared>>) dst(%dma_wait3A_288 : memref<128x128xf32, #tpu.memory_space<hbm>>)
        %mul3A_291 = arith.constant 640 : i32
        %mul3A_292 = arith.muli %arg1, %mul3A_291 : i32
        %add3A_293 = arith.constant 128 : i32
        %add3A_294 = arith.addi %mul3A_292, %add3A_293 : i32
        %mul3A_295 = arith.constant 640 : i32
        %mul3A_296 = arith.muli %arg1, %mul3A_295 : i32
        %add3A_297 = arith.constant 128 : i32
        %add3A_298 = arith.addi %mul3A_296, %add3A_297 : i32
        %dma_wait3A_299 = arith.constant 0 : i32
        %dma_wait3A_300 = tpu.memref_slice %arg6[%select_n3A, %add3A_298, %dma_wait3A_299] : memref<7x10240x128xf32, #tpu.memory_space<hbm>> -> memref<1x128x128xf32, #tpu.memory_space<hbm>>
        %dma_wait3A_301 = tpu.memref_squeeze %dma_wait3A_300 : memref<1x128x128xf32, #tpu.memory_space<hbm>> -> memref<128x128xf32, #tpu.memory_space<hbm>>
        %dma_wait3A_302 = arith.constant 0 : i32
        %dma_wait3A_303 = tpu.memref_slice %arg8[%add3A_294, %dma_wait3A_302] : memref<10240x128xf32, #tpu.memory_space<vmem_shared>> -> memref<128x128xf32, #tpu.memory_space<vmem_shared>>
        tpu.wait_dma2 semaphore(%arg23 : memref<!tpu.dma_semaphore, #tpu.memory_space<semaphore_mem>>) src(%dma_wait3A_303 : memref<128x128xf32, #tpu.memory_space<vmem_shared>>) dst(%dma_wait3A_301 : memref<128x128xf32, #tpu.memory_space<hbm>>)
        %mul3A_304 = arith.constant 640 : i32
        %mul3A_305 = arith.muli %arg1, %mul3A_304 : i32
        %add3A_306 = arith.constant 256 : i32
        %add3A_307 = arith.addi %mul3A_305, %add3A_306 : i32
        %mul3A_308 = arith.constant 640 : i32
        %mul3A_309 = arith.muli %arg1, %mul3A_308 : i32
        %add3A_310 = arith.constant 256 : i32
        %add3A_311 = arith.addi %mul3A_309, %add3A_310 : i32
        %dma_wait3A_312 = arith.constant 0 : i32
        %dma_wait3A_313 = tpu.memref_slice %arg6[%select_n3A, %add3A_311, %dma_wait3A_312] : memref<7x10240x128xf32, #tpu.memory_space<hbm>> -> memref<1x128x128xf32, #tpu.memory_space<hbm>>
        %dma_wait3A_314 = tpu.memref_squeeze %dma_wait3A_313 : memref<1x128x128xf32, #tpu.memory_space<hbm>> -> memref<128x128xf32, #tpu.memory_space<hbm>>
        %dma_wait3A_315 = arith.constant 0 : i32
        %dma_wait3A_316 = tpu.memref_slice %arg8[%add3A_307, %dma_wait3A_315] : memref<10240x128xf32, #tpu.memory_space<vmem_shared>> -> memref<128x128xf32, #tpu.memory_space<vmem_shared>>
        tpu.wait_dma2 semaphore(%arg23 : memref<!tpu.dma_semaphore, #tpu.memory_space<semaphore_mem>>) src(%dma_wait3A_316 : memref<128x128xf32, #tpu.memory_space<vmem_shared>>) dst(%dma_wait3A_314 : memref<128x128xf32, #tpu.memory_space<hbm>>)
        %mul3A_317 = arith.constant 640 : i32
        %mul3A_318 = arith.muli %arg1, %mul3A_317 : i32
        %add3A_319 = arith.constant 384 : i32
        %add3A_320 = arith.addi %mul3A_318, %add3A_319 : i32
        %mul3A_321 = arith.constant 640 : i32
        %mul3A_322 = arith.muli %arg1, %mul3A_321 : i32
        %add3A_323 = arith.constant 384 : i32
        %add3A_324 = arith.addi %mul3A_322, %add3A_323 : i32
        %dma_wait3A_325 = arith.constant 0 : i32
        %dma_wait3A_326 = tpu.memref_slice %arg6[%select_n3A, %add3A_324, %dma_wait3A_325] : memref<7x10240x128xf32, #tpu.memory_space<hbm>> -> memref<1x128x128xf32, #tpu.memory_space<hbm>>
        %dma_wait3A_327 = tpu.memref_squeeze %dma_wait3A_326 : memref<1x128x128xf32, #tpu.memory_space<hbm>> -> memref<128x128xf32, #tpu.memory_space<hbm>>
        %dma_wait3A_328 = arith.constant 0 : i32
        %dma_wait3A_329 = tpu.memref_slice %arg8[%add3A_320, %dma_wait3A_328] : memref<10240x128xf32, #tpu.memory_space<vmem_shared>> -> memref<128x128xf32, #tpu.memory_space<vmem_shared>>
        tpu.wait_dma2 semaphore(%arg23 : memref<!tpu.dma_semaphore, #tpu.memory_space<semaphore_mem>>) src(%dma_wait3A_329 : memref<128x128xf32, #tpu.memory_space<vmem_shared>>) dst(%dma_wait3A_327 : memref<128x128xf32, #tpu.memory_space<hbm>>)
        %mul3A_330 = arith.constant 640 : i32
        %mul3A_331 = arith.muli %arg1, %mul3A_330 : i32
        %add3A_332 = arith.constant 512 : i32
        %add3A_333 = arith.addi %mul3A_331, %add3A_332 : i32
        %mul3A_334 = arith.constant 640 : i32
        %mul3A_335 = arith.muli %arg1, %mul3A_334 : i32
        %add3A_336 = arith.constant 512 : i32
        %add3A_337 = arith.addi %mul3A_335, %add3A_336 : i32
        %dma_wait3A_338 = arith.constant 0 : i32
        %dma_wait3A_339 = tpu.memref_slice %arg6[%select_n3A, %add3A_337, %dma_wait3A_338] : memref<7x10240x128xf32, #tpu.memory_space<hbm>> -> memref<1x128x128xf32, #tpu.memory_space<hbm>>
        %dma_wait3A_340 = tpu.memref_squeeze %dma_wait3A_339 : memref<1x128x128xf32, #tpu.memory_space<hbm>> -> memref<128x128xf32, #tpu.memory_space<hbm>>
        %dma_wait3A_341 = arith.constant 0 : i32
        %dma_wait3A_342 = tpu.memref_slice %arg8[%add3A_333, %dma_wait3A_341] : memref<10240x128xf32, #tpu.memory_space<vmem_shared>> -> memref<128x128xf32, #tpu.memory_space<vmem_shared>>
        tpu.wait_dma2 semaphore(%arg23 : memref<!tpu.dma_semaphore, #tpu.memory_space<semaphore_mem>>) src(%dma_wait3A_342 : memref<128x128xf32, #tpu.memory_space<vmem_shared>>) dst(%dma_wait3A_340 : memref<128x128xf32, #tpu.memory_space<hbm>>)
        %mul3A_343 = arith.constant 640 : i32
        %mul3A_344 = arith.muli %arg1, %mul3A_343 : i32
        %mul3A_345 = arith.constant 640 : i32
        %mul3A_346 = arith.muli %arg1, %mul3A_345 : i32
        %dma_wait3A_347 = tpu.memref_slice %arg7[%select_n3A, %mul3A_346] : memref<7x10240xf32, #tpu.memory_space<hbm>> -> memref<1x640xf32, #tpu.memory_space<hbm>>
        %dma_wait3A_348 = tpu.memref_squeeze %dma_wait3A_347 : memref<1x640xf32, #tpu.memory_space<hbm>> -> memref<640xf32, #tpu.memory_space<hbm>>
        %dma_wait3A_349 = tpu.memref_slice %arg9[%mul3A_344] : memref<10240xf32, #tpu.memory_space<vmem_shared>> -> memref<640xf32, #tpu.memory_space<vmem_shared>>
        tpu.wait_dma2 semaphore(%arg23 : memref<!tpu.dma_semaphore, #tpu.memory_space<semaphore_mem>>) src(%dma_wait3A_349 : memref<640xf32, #tpu.memory_space<vmem_shared>>) dst(%dma_wait3A_348 : memref<640xf32, #tpu.memory_space<hbm>>)
      } else {
      }
    }
    %scan3A_25 = arith.constant 4 : i32
    return
  }
}

module attributes {stable_mosaic.version = 14 : i64} {
  func.func @body(%arg0: i32, %arg1: memref<7x1000x128xf32, #tpu.memory_space<vmem>>, %arg2: memref<7x1000x1xf32, #tpu.memory_space<vmem>>, %arg3: memref<7x128x128xbf16, #tpu.memory_space<vmem>>, %arg4: memref<7x1x128xf32, #tpu.memory_space<vmem>>, %arg5: memref<1000x128xf32, #tpu.memory_space<vmem>>) attributes {dimension_semantics = [#tpu.dimension_semantics<arbitrary>], iteration_bounds = array<i64: 10>, scalar_prefetch = 0 : i64, scratch_operands = 0 : i64, tpu.core_type = #tpu.core_type<tc>, window_params = [{transform_indices = @transform_0, window_bounds = array<i64: 7, 1000, 128>}, {transform_indices = @transform_1, window_bounds = array<i64: 7, 1000, 1>}, {pipeline_mode = #tpu.pipeline_mode<synchronous>, transform_indices = @transform_2, window_bounds = array<i64: 7, 128, 128>}, {pipeline_mode = #tpu.pipeline_mode<synchronous>, transform_indices = @transform_3, window_bounds = array<i64: 7, 1, 128>}, {transform_indices = @transform_4, window_bounds = array<i64: 1000, 128>}]} {
    %broadcast_in_dim3A = arith.constant 0.000000e+00 : f32
    %broadcast_in_dim3A_0 = vector.broadcast %broadcast_in_dim3A : f32 to vector<1000x128xf32>
    %get3A = arith.constant 0 : index
    %get3A_1 = arith.constant 0 : index
    %get3A_2 = arith.constant 0 : index
    %get3A_3 = vector.load %arg1[%get3A, %get3A_1, %get3A_2] : memref<7x1000x128xf32, #tpu.memory_space<vmem>>, vector<1x1000x128xf32>
    %get3A_4 = vector.shape_cast %get3A_3 : vector<1x1000x128xf32> to vector<1000x128xf32>
    %convert_element_type3A = arith.truncf %get3A_4 : vector<1000x128xf32> to vector<1000x128xbf16>
    %get3A_5 = arith.constant 0 : index
    %get3A_6 = arith.constant 0 : index
    %get3A_7 = arith.constant 0 : index
    %get3A_8 = vector.load %arg3[%get3A_5, %get3A_6, %get3A_7] : memref<7x128x128xbf16, #tpu.memory_space<vmem>>, vector<1x128x128xbf16>
    %get3A_9 = vector.shape_cast %get3A_8 : vector<1x128x128xbf16> to vector<128x128xbf16>
    %dot_general3A = arith.constant dense<0.000000e+00> : vector<1000x128xf32>
    %dot_general3A_10 = tpu.matmul %convert_element_type3A, %get3A_9, %dot_general3A {dimension_numbers = #tpu.dot_dimension_numbers<[1], [0], [0], [1], [0, 0, 1, 1], [], []>, transpose_lhs_hint = false} : vector<1000x128xbf16>, vector<128x128xbf16>, vector<1000x128xf32> -> vector<1000x128xf32>
    %get3A_11 = arith.constant 0 : index
    %get3A_12 = arith.constant 0 : index
    %get3A_13 = arith.constant 0 : index
    %get3A_14 = vector.load %arg2[%get3A_11, %get3A_12, %get3A_13] : memref<7x1000x1xf32, #tpu.memory_space<vmem>>, vector<1x1000x1xf32>
    %get3A_15 = vector.shape_cast %get3A_14 : vector<1x1000x1xf32> to vector<1000x1xf32>
    %max3A = arith.constant 1.000000e+00 : f32
    %max3A_16 = vector.broadcast %max3A : f32 to vector<1000x1xf32>
    %max3A_17 = arith.maximumf %get3A_15, %max3A_16 : vector<1000x1xf32>
    %div3A = vector.broadcast %max3A_17 : vector<1000x1xf32> to vector<1000x128xf32>
    %div3A_18 = arith.divf %dot_general3A_10, %div3A : vector<1000x128xf32>
    %get3A_19 = arith.constant 0 : index
    %get3A_20 = arith.constant 0 : index
    %get3A_21 = arith.constant 0 : index
    %get3A_22 = vector.load %arg4[%get3A_19, %get3A_20, %get3A_21] : memref<7x1x128xf32, #tpu.memory_space<vmem>>, vector<1x1x128xf32>
    %get3A_23 = vector.shape_cast %get3A_22 : vector<1x1x128xf32> to vector<1x128xf32>
    %add3A = vector.broadcast %get3A_23 : vector<1x128xf32> to vector<1000x128xf32>
    %add3A_24 = arith.addf %div3A_18, %add3A : vector<1000x128xf32>
    %max3A_25 = arith.constant 0.000000e+00 : f32
    %max3A_26 = vector.broadcast %max3A_25 : f32 to vector<1000x128xf32>
    %max3A_27 = arith.maximumf %add3A_24, %max3A_26 : vector<1000x128xf32>
    %add3A_28 = arith.addf %broadcast_in_dim3A_0, %max3A_27 : vector<1000x128xf32>
    %get3A_29 = arith.constant 1 : index
    %get3A_30 = arith.constant 0 : index
    %get3A_31 = arith.constant 0 : index
    %get3A_32 = vector.load %arg1[%get3A_29, %get3A_30, %get3A_31] : memref<7x1000x128xf32, #tpu.memory_space<vmem>>, vector<1x1000x128xf32>
    %get3A_33 = vector.shape_cast %get3A_32 : vector<1x1000x128xf32> to vector<1000x128xf32>
    %convert_element_type3A_34 = arith.truncf %get3A_33 : vector<1000x128xf32> to vector<1000x128xbf16>
    %get3A_35 = arith.constant 1 : index
    %get3A_36 = arith.constant 0 : index
    %get3A_37 = arith.constant 0 : index
    %get3A_38 = vector.load %arg3[%get3A_35, %get3A_36, %get3A_37] : memref<7x128x128xbf16, #tpu.memory_space<vmem>>, vector<1x128x128xbf16>
    %get3A_39 = vector.shape_cast %get3A_38 : vector<1x128x128xbf16> to vector<128x128xbf16>
    %dot_general3A_40 = arith.constant dense<0.000000e+00> : vector<1000x128xf32>
    %dot_general3A_41 = tpu.matmul %convert_element_type3A_34, %get3A_39, %dot_general3A_40 {dimension_numbers = #tpu.dot_dimension_numbers<[1], [0], [0], [1], [0, 0, 1, 1], [], []>, transpose_lhs_hint = false} : vector<1000x128xbf16>, vector<128x128xbf16>, vector<1000x128xf32> -> vector<1000x128xf32>
    %get3A_42 = arith.constant 1 : index
    %get3A_43 = arith.constant 0 : index
    %get3A_44 = arith.constant 0 : index
    %get3A_45 = vector.load %arg2[%get3A_42, %get3A_43, %get3A_44] : memref<7x1000x1xf32, #tpu.memory_space<vmem>>, vector<1x1000x1xf32>
    %get3A_46 = vector.shape_cast %get3A_45 : vector<1x1000x1xf32> to vector<1000x1xf32>
    %max3A_47 = arith.constant 1.000000e+00 : f32
    %max3A_48 = vector.broadcast %max3A_47 : f32 to vector<1000x1xf32>
    %max3A_49 = arith.maximumf %get3A_46, %max3A_48 : vector<1000x1xf32>
    %div3A_50 = vector.broadcast %max3A_49 : vector<1000x1xf32> to vector<1000x128xf32>
    %div3A_51 = arith.divf %dot_general3A_41, %div3A_50 : vector<1000x128xf32>
    %get3A_52 = arith.constant 1 : index
    %get3A_53 = arith.constant 0 : index
    %get3A_54 = arith.constant 0 : index
    %get3A_55 = vector.load %arg4[%get3A_52, %get3A_53, %get3A_54] : memref<7x1x128xf32, #tpu.memory_space<vmem>>, vector<1x1x128xf32>
    %get3A_56 = vector.shape_cast %get3A_55 : vector<1x1x128xf32> to vector<1x128xf32>
    %add3A_57 = vector.broadcast %get3A_56 : vector<1x128xf32> to vector<1000x128xf32>
    %add3A_58 = arith.addf %div3A_51, %add3A_57 : vector<1000x128xf32>
    %max3A_59 = arith.constant 0.000000e+00 : f32
    %max3A_60 = vector.broadcast %max3A_59 : f32 to vector<1000x128xf32>
    %max3A_61 = arith.maximumf %add3A_58, %max3A_60 : vector<1000x128xf32>
    %add3A_62 = arith.addf %add3A_28, %max3A_61 : vector<1000x128xf32>
    %get3A_63 = arith.constant 2 : index
    %get3A_64 = arith.constant 0 : index
    %get3A_65 = arith.constant 0 : index
    %get3A_66 = vector.load %arg1[%get3A_63, %get3A_64, %get3A_65] : memref<7x1000x128xf32, #tpu.memory_space<vmem>>, vector<1x1000x128xf32>
    %get3A_67 = vector.shape_cast %get3A_66 : vector<1x1000x128xf32> to vector<1000x128xf32>
    %convert_element_type3A_68 = arith.truncf %get3A_67 : vector<1000x128xf32> to vector<1000x128xbf16>
    %get3A_69 = arith.constant 2 : index
    %get3A_70 = arith.constant 0 : index
    %get3A_71 = arith.constant 0 : index
    %get3A_72 = vector.load %arg3[%get3A_69, %get3A_70, %get3A_71] : memref<7x128x128xbf16, #tpu.memory_space<vmem>>, vector<1x128x128xbf16>
    %get3A_73 = vector.shape_cast %get3A_72 : vector<1x128x128xbf16> to vector<128x128xbf16>
    %dot_general3A_74 = arith.constant dense<0.000000e+00> : vector<1000x128xf32>
    %dot_general3A_75 = tpu.matmul %convert_element_type3A_68, %get3A_73, %dot_general3A_74 {dimension_numbers = #tpu.dot_dimension_numbers<[1], [0], [0], [1], [0, 0, 1, 1], [], []>, transpose_lhs_hint = false} : vector<1000x128xbf16>, vector<128x128xbf16>, vector<1000x128xf32> -> vector<1000x128xf32>
    %get3A_76 = arith.constant 2 : index
    %get3A_77 = arith.constant 0 : index
    %get3A_78 = arith.constant 0 : index
    %get3A_79 = vector.load %arg2[%get3A_76, %get3A_77, %get3A_78] : memref<7x1000x1xf32, #tpu.memory_space<vmem>>, vector<1x1000x1xf32>
    %get3A_80 = vector.shape_cast %get3A_79 : vector<1x1000x1xf32> to vector<1000x1xf32>
    %max3A_81 = arith.constant 1.000000e+00 : f32
    %max3A_82 = vector.broadcast %max3A_81 : f32 to vector<1000x1xf32>
    %max3A_83 = arith.maximumf %get3A_80, %max3A_82 : vector<1000x1xf32>
    %div3A_84 = vector.broadcast %max3A_83 : vector<1000x1xf32> to vector<1000x128xf32>
    %div3A_85 = arith.divf %dot_general3A_75, %div3A_84 : vector<1000x128xf32>
    %get3A_86 = arith.constant 2 : index
    %get3A_87 = arith.constant 0 : index
    %get3A_88 = arith.constant 0 : index
    %get3A_89 = vector.load %arg4[%get3A_86, %get3A_87, %get3A_88] : memref<7x1x128xf32, #tpu.memory_space<vmem>>, vector<1x1x128xf32>
    %get3A_90 = vector.shape_cast %get3A_89 : vector<1x1x128xf32> to vector<1x128xf32>
    %add3A_91 = vector.broadcast %get3A_90 : vector<1x128xf32> to vector<1000x128xf32>
    %add3A_92 = arith.addf %div3A_85, %add3A_91 : vector<1000x128xf32>
    %max3A_93 = arith.constant 0.000000e+00 : f32
    %max3A_94 = vector.broadcast %max3A_93 : f32 to vector<1000x128xf32>
    %max3A_95 = arith.maximumf %add3A_92, %max3A_94 : vector<1000x128xf32>
    %add3A_96 = arith.addf %add3A_62, %max3A_95 : vector<1000x128xf32>
    %get3A_97 = arith.constant 3 : index
    %get3A_98 = arith.constant 0 : index
    %get3A_99 = arith.constant 0 : index
    %get3A_100 = vector.load %arg1[%get3A_97, %get3A_98, %get3A_99] : memref<7x1000x128xf32, #tpu.memory_space<vmem>>, vector<1x1000x128xf32>
    %get3A_101 = vector.shape_cast %get3A_100 : vector<1x1000x128xf32> to vector<1000x128xf32>
    %convert_element_type3A_102 = arith.truncf %get3A_101 : vector<1000x128xf32> to vector<1000x128xbf16>
    %get3A_103 = arith.constant 3 : index
    %get3A_104 = arith.constant 0 : index
    %get3A_105 = arith.constant 0 : index
    %get3A_106 = vector.load %arg3[%get3A_103, %get3A_104, %get3A_105] : memref<7x128x128xbf16, #tpu.memory_space<vmem>>, vector<1x128x128xbf16>
    %get3A_107 = vector.shape_cast %get3A_106 : vector<1x128x128xbf16> to vector<128x128xbf16>
    %dot_general3A_108 = arith.constant dense<0.000000e+00> : vector<1000x128xf32>
    %dot_general3A_109 = tpu.matmul %convert_element_type3A_102, %get3A_107, %dot_general3A_108 {dimension_numbers = #tpu.dot_dimension_numbers<[1], [0], [0], [1], [0, 0, 1, 1], [], []>, transpose_lhs_hint = false} : vector<1000x128xbf16>, vector<128x128xbf16>, vector<1000x128xf32> -> vector<1000x128xf32>
    %get3A_110 = arith.constant 3 : index
    %get3A_111 = arith.constant 0 : index
    %get3A_112 = arith.constant 0 : index
    %get3A_113 = vector.load %arg2[%get3A_110, %get3A_111, %get3A_112] : memref<7x1000x1xf32, #tpu.memory_space<vmem>>, vector<1x1000x1xf32>
    %get3A_114 = vector.shape_cast %get3A_113 : vector<1x1000x1xf32> to vector<1000x1xf32>
    %max3A_115 = arith.constant 1.000000e+00 : f32
    %max3A_116 = vector.broadcast %max3A_115 : f32 to vector<1000x1xf32>
    %max3A_117 = arith.maximumf %get3A_114, %max3A_116 : vector<1000x1xf32>
    %div3A_118 = vector.broadcast %max3A_117 : vector<1000x1xf32> to vector<1000x128xf32>
    %div3A_119 = arith.divf %dot_general3A_109, %div3A_118 : vector<1000x128xf32>
    %get3A_120 = arith.constant 3 : index
    %get3A_121 = arith.constant 0 : index
    %get3A_122 = arith.constant 0 : index
    %get3A_123 = vector.load %arg4[%get3A_120, %get3A_121, %get3A_122] : memref<7x1x128xf32, #tpu.memory_space<vmem>>, vector<1x1x128xf32>
    %get3A_124 = vector.shape_cast %get3A_123 : vector<1x1x128xf32> to vector<1x128xf32>
    %add3A_125 = vector.broadcast %get3A_124 : vector<1x128xf32> to vector<1000x128xf32>
    %add3A_126 = arith.addf %div3A_119, %add3A_125 : vector<1000x128xf32>
    %max3A_127 = arith.constant 0.000000e+00 : f32
    %max3A_128 = vector.broadcast %max3A_127 : f32 to vector<1000x128xf32>
    %max3A_129 = arith.maximumf %add3A_126, %max3A_128 : vector<1000x128xf32>
    %add3A_130 = arith.addf %add3A_96, %max3A_129 : vector<1000x128xf32>
    %get3A_131 = arith.constant 4 : index
    %get3A_132 = arith.constant 0 : index
    %get3A_133 = arith.constant 0 : index
    %get3A_134 = vector.load %arg1[%get3A_131, %get3A_132, %get3A_133] : memref<7x1000x128xf32, #tpu.memory_space<vmem>>, vector<1x1000x128xf32>
    %get3A_135 = vector.shape_cast %get3A_134 : vector<1x1000x128xf32> to vector<1000x128xf32>
    %convert_element_type3A_136 = arith.truncf %get3A_135 : vector<1000x128xf32> to vector<1000x128xbf16>
    %get3A_137 = arith.constant 4 : index
    %get3A_138 = arith.constant 0 : index
    %get3A_139 = arith.constant 0 : index
    %get3A_140 = vector.load %arg3[%get3A_137, %get3A_138, %get3A_139] : memref<7x128x128xbf16, #tpu.memory_space<vmem>>, vector<1x128x128xbf16>
    %get3A_141 = vector.shape_cast %get3A_140 : vector<1x128x128xbf16> to vector<128x128xbf16>
    %dot_general3A_142 = arith.constant dense<0.000000e+00> : vector<1000x128xf32>
    %dot_general3A_143 = tpu.matmul %convert_element_type3A_136, %get3A_141, %dot_general3A_142 {dimension_numbers = #tpu.dot_dimension_numbers<[1], [0], [0], [1], [0, 0, 1, 1], [], []>, transpose_lhs_hint = false} : vector<1000x128xbf16>, vector<128x128xbf16>, vector<1000x128xf32> -> vector<1000x128xf32>
    %get3A_144 = arith.constant 4 : index
    %get3A_145 = arith.constant 0 : index
    %get3A_146 = arith.constant 0 : index
    %get3A_147 = vector.load %arg2[%get3A_144, %get3A_145, %get3A_146] : memref<7x1000x1xf32, #tpu.memory_space<vmem>>, vector<1x1000x1xf32>
    %get3A_148 = vector.shape_cast %get3A_147 : vector<1x1000x1xf32> to vector<1000x1xf32>
    %max3A_149 = arith.constant 1.000000e+00 : f32
    %max3A_150 = vector.broadcast %max3A_149 : f32 to vector<1000x1xf32>
    %max3A_151 = arith.maximumf %get3A_148, %max3A_150 : vector<1000x1xf32>
    %div3A_152 = vector.broadcast %max3A_151 : vector<1000x1xf32> to vector<1000x128xf32>
    %div3A_153 = arith.divf %dot_general3A_143, %div3A_152 : vector<1000x128xf32>
    %get3A_154 = arith.constant 4 : index
    %get3A_155 = arith.constant 0 : index
    %get3A_156 = arith.constant 0 : index
    %get3A_157 = vector.load %arg4[%get3A_154, %get3A_155, %get3A_156] : memref<7x1x128xf32, #tpu.memory_space<vmem>>, vector<1x1x128xf32>
    %get3A_158 = vector.shape_cast %get3A_157 : vector<1x1x128xf32> to vector<1x128xf32>
    %add3A_159 = vector.broadcast %get3A_158 : vector<1x128xf32> to vector<1000x128xf32>
    %add3A_160 = arith.addf %div3A_153, %add3A_159 : vector<1000x128xf32>
    %max3A_161 = arith.constant 0.000000e+00 : f32
    %max3A_162 = vector.broadcast %max3A_161 : f32 to vector<1000x128xf32>
    %max3A_163 = arith.maximumf %add3A_160, %max3A_162 : vector<1000x128xf32>
    %add3A_164 = arith.addf %add3A_130, %max3A_163 : vector<1000x128xf32>
    %get3A_165 = arith.constant 5 : index
    %get3A_166 = arith.constant 0 : index
    %get3A_167 = arith.constant 0 : index
    %get3A_168 = vector.load %arg1[%get3A_165, %get3A_166, %get3A_167] : memref<7x1000x128xf32, #tpu.memory_space<vmem>>, vector<1x1000x128xf32>
    %get3A_169 = vector.shape_cast %get3A_168 : vector<1x1000x128xf32> to vector<1000x128xf32>
    %convert_element_type3A_170 = arith.truncf %get3A_169 : vector<1000x128xf32> to vector<1000x128xbf16>
    %get3A_171 = arith.constant 5 : index
    %get3A_172 = arith.constant 0 : index
    %get3A_173 = arith.constant 0 : index
    %get3A_174 = vector.load %arg3[%get3A_171, %get3A_172, %get3A_173] : memref<7x128x128xbf16, #tpu.memory_space<vmem>>, vector<1x128x128xbf16>
    %get3A_175 = vector.shape_cast %get3A_174 : vector<1x128x128xbf16> to vector<128x128xbf16>
    %dot_general3A_176 = arith.constant dense<0.000000e+00> : vector<1000x128xf32>
    %dot_general3A_177 = tpu.matmul %convert_element_type3A_170, %get3A_175, %dot_general3A_176 {dimension_numbers = #tpu.dot_dimension_numbers<[1], [0], [0], [1], [0, 0, 1, 1], [], []>, transpose_lhs_hint = false} : vector<1000x128xbf16>, vector<128x128xbf16>, vector<1000x128xf32> -> vector<1000x128xf32>
    %get3A_178 = arith.constant 5 : index
    %get3A_179 = arith.constant 0 : index
    %get3A_180 = arith.constant 0 : index
    %get3A_181 = vector.load %arg2[%get3A_178, %get3A_179, %get3A_180] : memref<7x1000x1xf32, #tpu.memory_space<vmem>>, vector<1x1000x1xf32>
    %get3A_182 = vector.shape_cast %get3A_181 : vector<1x1000x1xf32> to vector<1000x1xf32>
    %max3A_183 = arith.constant 1.000000e+00 : f32
    %max3A_184 = vector.broadcast %max3A_183 : f32 to vector<1000x1xf32>
    %max3A_185 = arith.maximumf %get3A_182, %max3A_184 : vector<1000x1xf32>
    %div3A_186 = vector.broadcast %max3A_185 : vector<1000x1xf32> to vector<1000x128xf32>
    %div3A_187 = arith.divf %dot_general3A_177, %div3A_186 : vector<1000x128xf32>
    %get3A_188 = arith.constant 5 : index
    %get3A_189 = arith.constant 0 : index
    %get3A_190 = arith.constant 0 : index
    %get3A_191 = vector.load %arg4[%get3A_188, %get3A_189, %get3A_190] : memref<7x1x128xf32, #tpu.memory_space<vmem>>, vector<1x1x128xf32>
    %get3A_192 = vector.shape_cast %get3A_191 : vector<1x1x128xf32> to vector<1x128xf32>
    %add3A_193 = vector.broadcast %get3A_192 : vector<1x128xf32> to vector<1000x128xf32>
    %add3A_194 = arith.addf %div3A_187, %add3A_193 : vector<1000x128xf32>
    %max3A_195 = arith.constant 0.000000e+00 : f32
    %max3A_196 = vector.broadcast %max3A_195 : f32 to vector<1000x128xf32>
    %max3A_197 = arith.maximumf %add3A_194, %max3A_196 : vector<1000x128xf32>
    %add3A_198 = arith.addf %add3A_164, %max3A_197 : vector<1000x128xf32>
    %get3A_199 = arith.constant 6 : index
    %get3A_200 = arith.constant 0 : index
    %get3A_201 = arith.constant 0 : index
    %get3A_202 = vector.load %arg1[%get3A_199, %get3A_200, %get3A_201] : memref<7x1000x128xf32, #tpu.memory_space<vmem>>, vector<1x1000x128xf32>
    %get3A_203 = vector.shape_cast %get3A_202 : vector<1x1000x128xf32> to vector<1000x128xf32>
    %convert_element_type3A_204 = arith.truncf %get3A_203 : vector<1000x128xf32> to vector<1000x128xbf16>
    %get3A_205 = arith.constant 6 : index
    %get3A_206 = arith.constant 0 : index
    %get3A_207 = arith.constant 0 : index
    %get3A_208 = vector.load %arg3[%get3A_205, %get3A_206, %get3A_207] : memref<7x128x128xbf16, #tpu.memory_space<vmem>>, vector<1x128x128xbf16>
    %get3A_209 = vector.shape_cast %get3A_208 : vector<1x128x128xbf16> to vector<128x128xbf16>
    %dot_general3A_210 = arith.constant dense<0.000000e+00> : vector<1000x128xf32>
    %dot_general3A_211 = tpu.matmul %convert_element_type3A_204, %get3A_209, %dot_general3A_210 {dimension_numbers = #tpu.dot_dimension_numbers<[1], [0], [0], [1], [0, 0, 1, 1], [], []>, transpose_lhs_hint = false} : vector<1000x128xbf16>, vector<128x128xbf16>, vector<1000x128xf32> -> vector<1000x128xf32>
    %get3A_212 = arith.constant 6 : index
    %get3A_213 = arith.constant 0 : index
    %get3A_214 = arith.constant 0 : index
    %get3A_215 = vector.load %arg2[%get3A_212, %get3A_213, %get3A_214] : memref<7x1000x1xf32, #tpu.memory_space<vmem>>, vector<1x1000x1xf32>
    %get3A_216 = vector.shape_cast %get3A_215 : vector<1x1000x1xf32> to vector<1000x1xf32>
    %max3A_217 = arith.constant 1.000000e+00 : f32
    %max3A_218 = vector.broadcast %max3A_217 : f32 to vector<1000x1xf32>
    %max3A_219 = arith.maximumf %get3A_216, %max3A_218 : vector<1000x1xf32>
    %div3A_220 = vector.broadcast %max3A_219 : vector<1000x1xf32> to vector<1000x128xf32>
    %div3A_221 = arith.divf %dot_general3A_211, %div3A_220 : vector<1000x128xf32>
    %get3A_222 = arith.constant 6 : index
    %get3A_223 = arith.constant 0 : index
    %get3A_224 = arith.constant 0 : index
    %get3A_225 = vector.load %arg4[%get3A_222, %get3A_223, %get3A_224] : memref<7x1x128xf32, #tpu.memory_space<vmem>>, vector<1x1x128xf32>
    %get3A_226 = vector.shape_cast %get3A_225 : vector<1x1x128xf32> to vector<1x128xf32>
    %add3A_227 = vector.broadcast %get3A_226 : vector<1x128xf32> to vector<1000x128xf32>
    %add3A_228 = arith.addf %div3A_221, %add3A_227 : vector<1000x128xf32>
    %max3A_229 = arith.constant 0.000000e+00 : f32
    %max3A_230 = vector.broadcast %max3A_229 : f32 to vector<1000x128xf32>
    %max3A_231 = arith.maximumf %add3A_228, %max3A_230 : vector<1000x128xf32>
    %add3A_232 = arith.addf %add3A_198, %max3A_231 : vector<1000x128xf32>
    %mul3A = arith.constant 0.142857149 : f32
    %mul3A_233 = vector.broadcast %mul3A : f32 to vector<1000x128xf32>
    %mul3A_234 = arith.mulf %add3A_232, %mul3A_233 : vector<1000x128xf32>
    %swap3A = arith.constant 0 : index
    %swap3A_235 = arith.constant 0 : index
    %swap3A_236 = vector.load %arg5[%swap3A, %swap3A_235] : memref<1000x128xf32, #tpu.memory_space<vmem>>, vector<1000x128xf32>
    tpu.vector_store %arg5[%swap3A, %swap3A_235], %mul3A_234 {strides = array<i32>} : memref<1000x128xf32, #tpu.memory_space<vmem>>, vector<1000x128xf32>,
    return
  }
  func.func @transform_0(%arg0: i32) -> (i32, i32, i32) {
    %c0_i32 = arith.constant 0 : i32
    %c0_i32_0 = arith.constant 0 : i32
    %c0_i32_1 = arith.constant 0 : i32
    return %c0_i32, %arg0, %c0_i32_0 : i32, i32, i32
  }
  func.func @transform_1(%arg0: i32) -> (i32, i32, i32) {
    %c0_i32 = arith.constant 0 : i32
    %c0_i32_0 = arith.constant 0 : i32
    %c0_i32_1 = arith.constant 0 : i32
    return %c0_i32, %arg0, %c0_i32_0 : i32, i32, i32
  }
  func.func @transform_2(%arg0: i32) -> (i32, i32, i32) {
    %c0_i32 = arith.constant 0 : i32
    %c0_i32_0 = arith.constant 0 : i32
    %c0_i32_1 = arith.constant 0 : i32
    %c0_i32_2 = arith.constant 0 : i32
    return %c0_i32, %c0_i32_0, %c0_i32_1 : i32, i32, i32
  }
  func.func @transform_3(%arg0: i32) -> (i32, i32, i32) {
    %c0_i32 = arith.constant 0 : i32
    %c0_i32_0 = arith.constant 0 : i32
    %c0_i32_1 = arith.constant 0 : i32
    %c0_i32_2 = arith.constant 0 : i32
    return %c0_i32, %c0_i32_0, %c0_i32_1 : i32, i32, i32
  }
  func.func @transform_4(%arg0: i32) -> (i32, i32) {
    %c0_i32 = arith.constant 0 : i32
    %c0_i32_0 = arith.constant 0 : i32
    return %arg0, %c0_i32 : i32, i32
  }
}

</mosaic_0001>

<sc_bundles>
// kernel: kernel.4.cloned.1.call-start
scs
__scs_entry_jumppad:
0x0: {  	(pc) =	sbr.rel $0x88, $3  }
0x1: {  	(tag) =	ssettag $0x0;
	lr =	simm.s32 $0x1  }
0x2: {  	[smem:$0x3F9C] =	sst lr;
	_ =	strace $0xD0000000  }
0x3: {  	_ = 	snop  }
0x4: {  	_ = 	snop  }
0x5: {  	_ = 	snop  }
0x6: {  	_ = 	snop  }
0x7: {  	_ = 	snop  }
__scs_overlays_trampoline_lowered:
0x8: {  	[smem:$0x3FAB] =	sst s0  }
0x9: {  	[smem:$0x3FAC] =	sst s1  }
0xa: {  	[smem:$0x3FAD] =	sst s2  }
0xb: {  	[smem:$0x3FAE] =	sst s3  }
0xc: {  	[smem:$0x3FAF] =	sst s4  }
0xd: {  	[smem:$0x3FB0] =	sst s5  }
0xe: {  	[smem:$0x3FB1] =	sst s6  }
0xf: {  	[smem:$0x3FB2] =	sst s7  }
0x10: {  	[smem:$0x3FB3] =	sst s8  }
0x11: {  	[smem:$0x3FB4] =	sst s9;
	s0 =	simm.s32 @!p0 $0x0  }
0x12: {  	s1 =	sld [smem:$0x3F9A];
	s0 =	simm.s32 @p0 $0x1  }
0x13: {  	[smem:$0x3FB5] =	sst s0;
	s0 =	simm.s32 @!p1 $0x0  }
0x14: {  	s2 =	sld [smem:$0x3F99];
	s0 =	simm.s32 @p1 $0x1  }
0x15: {  	[smem:$0x3FB6] =	sst s0;
	s0 =	simm.s32 @!p2 $0x0  }
0x16: {  	s3 =	sld [smem:$0x3FDB];
	s0 =	simm.s32 @p2 $0x1  }
0x17: {  	s4 =	simm.s32 $0x1BF5;
	[smem:$0x3FB8] =	sst s0  }
0x18: {  	s0 =	sld [smem:$0x3F9B];
	_ =	swait.ge [sflag:s4], $0x0  }
0x19: {  	s7 =	sld [smem:$0x3F9C]  }
0x1a: {  	s8 =	sadd.s32 $0xFFFFE003, lr  }
0x1b: {  	s9 =	sadd.s32 $0xFFFFFEF7, lr;
	s5 =	simm.s32 $0xFFFFFFFF;
	p2 =	slt.u32 s8, $0xFFFFF086  }
0x1c: {  	p1 =	slt.u32 s9, $0xF7A;
	s5 =	simm.s32 @!p2 $0x0  }
0x1d: {  	s5 =	simm.s32 @p1 $0x1;
	p0 =	seq.s32 s7, s2  }
0x1e: {  	s7 =	smul.u32 @!p0 $0xF7A, s2;
	p2 =	seq.s32 @!p0 s5, $0x0  }
0x1f: {  	s9 =	smul.u32 $0xF7A, s1;
	s8 =	simm.s32 @!p0 $0x1BF5;
	p2 =	por !p2, p0  }
0x20: {  	[sflag:s8] =	ssyncset.s32 @!p0 $0xFFFFF086;
	s6 =	sadd.s32 @!p0 s3, s7;
	s7 =	simm.s32 @!p0 $0x108  }
0x21: {  	s3 =	sadd.s32 s3, s9;
	s6 =	sadd.s32 @!p0 $0x88, s6;
	s7 =	simm.s32 @p2 $0x1082  }
0x22: {  	[simem:s7], [sflag:s8] =	dma.local @!p0 [hbm:s6], $0xF7A  }
0x23: {  	s9 =	sor.u32 $0xD0000000, s2;
	s6 =	simm.s32 $0x108;
	_ =	swait.ge @!p0 [sflag:s8], $0x0  }
0x24: {  	s3 =	sadd.s32 $0x88, s3;
	s6 =	simm.s32 @!p1 $0x1082;
	[sflag:s4] =	ssyncset.s32 $0xFFFFF086  }
0x25: {  	[simem:s6], [sflag:s4] =	dma.local [hbm:s3], $0xF7A  }
0x26: {  	[smem:$0x3F9C] =	sst s1;
	(tag) =	ssettag s2;
	_ =	strace s9  }
0x27: {  	s1 =	sld [smem:$0x3FAC]  }
0x28: {  	s2 =	sld [smem:$0x3FAD]  }
0x29: {  	s4 =	sld [smem:$0x3FAF]  }
0x2a: {  	p0 =	seq.s32 s5, $0x0;
	s5 =	sld [smem:$0x3FB0]  }
0x2b: {  	s6 =	sld [smem:$0x3FB1]  }
0x2c: {  	s7 =	sld [smem:$0x3FB2]  }
0x2d: {  	s3 =	simm.s32 $0x108;
	s8 =	sld [smem:$0x3FB3]  }
0x2e: {  	s3 =	simm.s32 @!p0 $0x1082;
	s9 =	sld [smem:$0x3FB4]  }
0x2f: {  	lr =	sadd.s32 s0, s3;
	s0 =	sld [smem:$0x3FAB]  }
0x30: {  	s3 =	sld [smem:$0x3FAE]  }
0x31: {  	[smem:$0x3FB7] =	sst s10  }
0x32: {  	s10 =	sld [smem:$0x3FB5];
	_ =	sdelay $0x3  }
0x33: {  	p0 =	seq.s32 s10, $0x1;
	s10 =	sld [smem:$0x3FB7];
	_ =	sdelay $0x3  }
0x34: {  	[smem:$0x3FB7] =	sst s10  }
0x35: {  	s10 =	sld [smem:$0x3FB6];
	_ =	sdelay $0x3  }
0x36: {  	p1 =	seq.s32 s10, $0x1;
	s10 =	sld [smem:$0x3FB7];
	_ =	sdelay $0x3  }
0x37: {  	[smem:$0x3FB7] =	sst s10  }
0x38: {  	s10 =	sld [smem:$0x3FB8]  }
0x39: {  	_ = 	snop;
	(pc) =	sbr.ind lr, $3  }
0x3a: {  	_ = 	snop  }
0x3b: {  	_ = 	snop  }
0x3c: {  	p2 =	seq.s32 s10, $0x1;
	s10 =	sld [smem:$0x3FB7]  }
0x3d: {  	_ =	shalt  }
0x3e: {  	_ =	shalt  }
0x3f: {  	_ =	shalt  }
0x40: {  	_ =	shalt  }
0x41: {  	_ =	shalt  }
0x42: {  	_ =	shalt  }
0x43: {  	_ =	shalt  }
0x44: {  	_ =	shalt  }
0x45: {  	_ =	shalt  }
0x46: {  	_ =	shalt  }
0x47: {  	_ =	shalt  }
0x48: {  	_ =	shalt  }
0x49: {  	_ =	shalt  }
0x4a: {  	_ =	shalt  }
0x4b: {  	_ =	shalt  }
0x4c: {  	_ =	shalt  }
0x4d: {  	_ =	shalt  }
0x4e: {  	_ =	shalt  }
0x4f: {  	_ =	shalt  }
0x50: {  	_ =	shalt  }
0x51: {  	_ =	shalt  }
0x52: {  	_ =	shalt  }
0x53: {  	_ =	shalt  }
0x54: {  	_ =	shalt  }
0x55: {  	_ =	shalt  }
0x56: {  	_ =	shalt  }
0x57: {  	_ =	shalt  }
0x58: {  	_ =	shalt  }
0x59: {  	_ =	shalt  }
0x5a: {  	_ =	shalt  }
0x5b: {  	_ =	shalt  }
0x5c: {  	_ =	shalt  }
0x5d: {  	_ =	shalt  }
0x5e: {  	_ =	shalt  }
0x5f: {  	_ =	shalt  }
0x60: {  	_ =	shalt  }
0x61: {  	_ =	shalt  }
0x62: {  	_ =	shalt  }
0x63: {  	_ =	shalt  }
0x64: {  	_ =	shalt  }
0x65: {  	_ =	shalt  }
0x66: {  	_ =	shalt  }
0x67: {  	_ =	shalt  }
0x68: {  	_ =	shalt  }
0x69: {  	_ =	shalt  }
0x6a: {  	_ =	shalt  }
0x6b: {  	_ =	shalt  }
0x6c: {  	_ =	shalt  }
0x6d: {  	_ =	shalt  }
0x6e: {  	_ =	shalt  }
0x6f: {  	_ =	shalt  }
0x70: {  	_ =	shalt  }
0x71: {  	_ =	shalt  }
0x72: {  	_ =	shalt  }
0x73: {  	_ =	shalt  }
0x74: {  	_ =	shalt  }
0x75: {  	_ =	shalt  }
0x76: {  	_ =	shalt  }
0x77: {  	_ =	shalt  }
0x78: {  	_ =	shalt  }
0x79: {  	_ =	shalt  }
0x7a: {  	_ =	shalt  }
0x7b: {  	_ =	shalt  }
0x7c: {  	_ =	shalt  }
0x7d: {  	_ =	shalt  }
0x7e: {  	_ =	shalt  }
0x7f: {  	_ =	shalt  }
0x80: {  	_ =	shalt  }
0x81: {  	_ =	shalt  }
0x82: {  	_ =	shalt  }
0x83: {  	_ =	shalt  }
0x84: {  	_ =	shalt  }
0x85: {  	_ =	shalt  }
0x86: {  	_ =	shalt  }
0x87: {  	_ =	shalt  }
.Lfunc_end0:
.L_simem_size_0:
called_computation_lowered:
.L_overlay_start_0:
0x88: {  	s2 =	sld [smem:$0x3FD9]  }
0x89: {  	s3 =	sld [smem:$0x3FFE];
	_ =	sdelay $0x1  }
0x8a: {  	s1 =	srdreg.scid  }
0x8b: {  	s0 =	sand.u32 $0x1, s1  }
0x8c: {  	s17 =	sshll.u32 s0, $0xA;
	s2 =	sadd.s32 s3, s2  }
0x8d: {  	s2 =	sadd.s32 s2, s17  }
0x8e: {  	[smem:$0x3FC3] =	sst s2  }
0x8f: {  	_ = 	snop  }
0x90: {  	s2 =	sld [smem:$0x3FC9]  }
0x91: {  	s18 =	sld [smem:$0x3FD0];
	(tm) =	ssettm $0x1  }
0x92: {  	s4 =	sld [smem:$0x3FFB];
	_ =	sdelay $0x3  }
0x93: {  	_ =	strace s4  }
0x94: {  	s4 =	sld [smem:$0x3FFC];
	_ =	sdelay $0x3  }
0x95: {  	_ =	strace s4  }
0x96: {  	s4 =	sld [smem:$0x3FFD];
	_ =	sdelay $0x3  }
0x97: {  	_ =	strace s4  }
0x98: {  	_ =	strace $0x8FFFFFFF  }
0x99: {  	s19 =	sld [smem:$0x3FDB];
	_ =	sdelay $0x1  }
0x9a: {  	s5 =	simm.s32 $_scs_section_size  }
0x9b: {  	s6 =	simm.s32 $_size__tile_overlayer_lowered;
	s7 =	simm.s32 $_tile_overlayer_lowered  }
0x9c: {  	s22 =	simm.s32 $0x1BFF;
	s21 =	sshll.u32 s7, $0x1;
	s4 =	sadd.s32 s5, s19  }
0x9d: {  	s8 =	simm.s32 $0x0;
	s20 =	sshll.u32 s6, $0x1;
	s6 =	sadd.s32 s21, s4  }
0x9e: {  	[timem:s8], [sflag:s22] =	dma.local [hbm:s6], s20  }
0x9f: {  	_ =	swait.ge [sflag:s22], s20  }
0xa0: {  	s5 =	ssub.s32 $0x0, s20;
	[sflag:s22] =	ssyncset.done $0x0  }
0xa1: {  	[sflag:s22] =	ssyncadd.s32 s5;
	_ =	sdelay $0x1  }
0xa2: {  	s23 =	simm.s32 $0x1B8B  }
0xa3: {  	_ =	swait.ge [sflag:s23], $0x1  }
0xa4: {  	[sflag:s23] =	ssyncset.done $0x0  }
0xa5: {  	s25 =	simm.s32 $0x1B8E;
	s24 =	sld [smem:$0x3FFE];
	[sflag:s23] =	ssyncadd.s32 $0xFFFFFFFF  }
0xa6: {  	s26 =	simm.s32 $execute0_lowered;
	[smem:$0x3FD2] =	sst s25  }
0xa7: {  	s6 =	sshll.u32 s26, $0x1;
	_ =	strace $0x80000046;
	[dreg:$0x1] =	wrdreg $0xFFFFFFFF  }
0xa8: {  	s28 =	simm.s32 $_size_execute0_lowered;
	s4 =	sadd.s32 s4, s6;
	[dreg:$0x0] =	wrdreg $0x0  }
0xa9: {  	s6 =	sshll.u32 s28, $0x1;
	[dreg:$0x2] =	wrdreg s4  }
0xaa: {  	[dreg:$0x3] =	wrdreg s6  }
0xab: {  	[dreg:$0x4] =	wrdreg $0xC0  }
0xac: {  	_ =	task [dreg:s8], $0x5FFFF  }
0xad: {  	[dreg:$0x1] =	wrdreg $0xFFFFFFFF  }
0xae: {  	[dreg:$0x0] =	wrdreg $0x60  }
0xaf: {  	[dreg:$0x2] =	wrdreg s2  }
0xb0: {  	[dreg:$0x3] =	wrdreg s18  }
0xb1: {  	[dreg:$0x4] =	wrdreg s24  }
0xb2: {  	[dreg:$0x5] =	wrdreg $0x0  }
0xb3: {  	[dreg:$0x6] =	wrdreg $0x140000  }
0xb4: {  	[dreg:$0x7] =	wrdreg $0x9  }
0xb5: {  	_ =	task.clear_ibuf [dreg:s8], $0x8FFFF;
	_ =	strace $0x90000046  }
0xb6: {  	s29 =	simm.s32 $0x9;
	_ =	strace $0x80000048  }
0xb7: {  	_ =	swait.ge [sflag:s29], $0x1  }
0xb8: {  	[sflag:s29] =	ssyncadd.s32 $0xFFFFFFFF  }
0xb9: {  	_ =	strace $0x90000048  }
0xba: {  	_ =	sfence  }
0xbb: {  	s30 =	sld [smem:$0x0];
	_ =	sdelay $0x2  }
0xbc: {  	s31 =	sshll.u32 s1, $0xD;
	s1 =	sshrl.u32 s1, $0x2  }
0xbd: {  	s3 =	sand.u32 $0x4000, s31;
	s1 =	sadd.s32 s1, s30  }
0xbe: {  	s0 =	sor.u32 s3, s0;
	s1 =	sshll.u32 s1, $0x11  }
0xbf: {  	s0 =	sor.u32 s1, s0  }
0xc0: {  	s0 =	sadd.s32 $0x8F2B, s0  }
0xc1: {  	[sflag:s0] =	ssyncadd.remote.s32 $0x1  }
0xc2: {  	_ =	sfence.sel $0xFFFF  }
0xc3: {  	[dreg:$0x0] =	wrdreg $0xFFFFFFFF;
	(pc) =	sbr.abs _section_cstart, $3  }
0xc4: {  	[dreg:$0x1] =	wrdreg $0xFFFFFFFF  }
0xc5: {  	_ =	task.clear_ibuf [dreg:s8], $0x2FFFF;
	_ =	strace $0x9FFFFFFF  }
0xc6: {  	(tm) =	ssettm $0x7FFFFFFF  }
0xc7: {  	_ =	shalt  }
tec
execute0_lowered:
.L_overlay_start_1:
0x0: {  	(tag) =	ssettag $0x1  }
0x1: {  	s1 =	rddreg [dreg:$0x0]  }
0x2: {  	s2 =	rddreg [dreg:$0x1]  }
0x3: {  	s0 =	rddreg [dreg:$0x2]  }
0x4: {  	s3 =	rddreg [dreg:$0x3]  }
0x5: {  	s4 =	rddreg [dreg:$0x4];
	s5 =	simm.s32 $0x0;
	s6 =	srdreg.scid  }
0x6: {  	s14 =	stileid.u32;
	[smem:$0x7FF] =	sst s5  }
0x7: {  	s7 =	sadd.s32 $0x600, s0;
	s8 =	sadd.s32 $0xA600, s0;
	s9 =	sadd.s32 $0x16E00, s0  }
0x8: {  	s6 =	sand.u32 $0x1, s6;
	s0 =	sadd.s32 $0x14600, s0;
	s19 =	smul.u32 $0x280, s14  }
0x9: {  	_ =	strace $0x80000047;
	[dreg:$0x7] =	wrdreg s0;
	s15 =	sshll.u32 s6, $0x2  }
0xa: {  	s13 =	smul.u32 $0x50000, s14;
	[dreg:$0x8] =	wrdreg s15;
	s29 =	sshll.u32 s19, $0x7  }
0xb: {  	s25 =	ssub.s32 $0x2, s6;
	[dreg:$0x9] =	wrdreg s19;
	s30 =	sadd.s32 $0x4000, s29  }
0xc: {  	s11 =	sshrl.u32 s25, $0x1;
	s21 =	sadd.s32 $0x8000, s29;
	[dreg:$0xb] =	wrdreg s30  }
0xd: {  	s13 =	sshrl.u32 s13, $0x2;
	s31 =	sadd.s32 $0xC000, s29;
	[dreg:$0xc] =	wrdreg s21  }
0xe: {  	s20 =	sadd.s32 s13, s3;
	s15 =	sadd.s32 $0x10000, s29;
	[dreg:$0xd] =	wrdreg s31  }
0xf: {  	s0 =	ssub.s32 s25, s11;
	s28 =	sadd.s32 $0x4000, s20;
	[dreg:$0xe] =	wrdreg s15  }
0x10: {  	s10 =	smul.u32 $0x271, s14;
	s0 =	smax.u32 s0, $0x1;
	[dreg:$0xa] =	wrdreg s28  }
0x11: {  	s12 =	sshll.u32 s14, $0x3;
	s22 =	sadd.s32 $0x8000, s20;
	[dreg:$0xf] =	wrdreg s0  }
0x12: {  	s12 =	sadd.s32 $0x2710, s12;
	s23 =	sadd.s32 $0xC000, s20;
	[dreg:$0x10] =	wrdreg s22  }
0x13: {  	s25 =	smul.u32 $0x14000, s14;
	s24 =	sadd.s32 $0x10000, s20;
	[dreg:$0x11] =	wrdreg s23  }
0x14: {  	p0 =	seq.s32 s6, $0x1;
	s11 =	smul.u32 $0x5000, s14;
	[dreg:$0x12] =	wrdreg s24  }
0x15: {  	s29 =	sadd.s32 s31, s3;
	s31 =	smul.u32 $0x1400, s14;
	[dreg:$0x14] =	wrdreg s25  }
0x16: {  	s26 =	sshrl.u32 s11, $0x3;
	s28 =	sadd.s32 s21, s3;
	[dreg:$0x17] =	wrdreg s29  }
.Ltmp0:
0x17: {  	s22 =	sadd.s32 s19, s4;
	[dreg:$0x16] =	wrdreg s28;
	(pc) =	sbr.rel .LBB2_1-.Ltmp0, $4  }
0x18: {  	s16 =	sadd.s32 s2, s26;
	s17 =	sadd.s32 s7, s26;
	[dreg:$0x19] =	wrdreg s31  }
0x19: {  	s18 =	sadd.s32 s8, s26;
	s26 =	sadd.s32 s30, s3;
	[dreg:$0x13] =	wrdreg s22  }
0x1a: {  	v2 =	vimm.f32 $1.000000000e+00;
	p1 =	seq.s32 s6, $0x0;
	s30 =	sadd.s32 s15, s3;
	[dreg:$0x15] =	wrdreg s26  }
0x1b: {  	v3 =	vimm.f32 $0.0e+00;
	s6 =	simm.s32 $0x0;
	v0 =	vmov s10;
	v1 =	vmov s12;
	s10 =	simm.s32 $0x80;
	[dreg:$0x18] =	wrdreg s30  }
.LBB2_15:
0x1c: {  	s6 =	rddreg [dreg:$0x1a]  }
0x1d: {  	s0 =	rddreg [dreg:$0xf];
	s6 =	sadd.s32 $0x1, s6  }
0x1e: {  	p2 =	sne.s32 s6, s0  }
.Ltmp1:
0x1f: {  	_ = 	snop;
	(pc) =	sbr.rel @!p2 .LBB2_16-.Ltmp1, $1  }
0x20: {  	_ =	sdelay $0x3  }
.LBB2_1:
0x21: {  	[tilespmem:$0x1E680] =	vst v2  }
0x22: {  	[tilespmem:$0x1E690] =	vst v2  }
0x23: {  	[tilespmem:$0x1E6A0] =	vst v2  }
0x24: {  	[tilespmem:$0x1E6B0] =	vst v2  }
0x25: {  	[tilespmem:$0x1E6C0] =	vst v2  }
0x26: {  	[tilespmem:$0x1E6D0] =	vst v2  }
0x27: {  	[tilespmem:$0x1E6E0] =	vst v2  }
0x28: {  	[tilespmem:$0x1E6F0] =	vst v2  }
0x29: {  	[tilespmem:$0x1E700] =	vst v3  }
0x2a: {  	[tilespmem:$0x1E710] =	vst v3  }
0x2b: {  	[tilespmem:$0x1E720] =	vst v3  }
0x2c: {  	[tilespmem:$0x1E730] =	vst v3  }
0x2d: {  	[tilespmem:$0x1E740] =	vst v3  }
0x2e: {  	[tilespmem:$0x1E750] =	vst v3  }
0x2f: {  	[tilespmem:$0x1E760] =	vst v3  }
0x30: {  	[tilespmem:$0x1E770] =	vst v3  }
0x31: {  	[tilespmem:$0x1E780] =	vst v3  }
0x32: {  	[tilespmem:$0x1E790] =	vst v3  }
0x33: {  	[tilespmem:$0x1E7A0] =	vst v3  }
0x34: {  	[tilespmem:$0x1E7B0] =	vst v3  }
0x35: {  	[tilespmem:$0x1E7C0] =	vst v3  }
0x36: {  	[tilespmem:$0x1E7D0] =	vst v3  }
0x37: {  	[tilespmem:$0x1E7E0] =	vst v3  }
0x38: {  	[tilespmem:$0x1E7F0] =	vst v3  }
0x39: {  	[tilespmem:$0x1E800] =	vst v3  }
0x3a: {  	[tilespmem:$0x1E810] =	vst v3  }
0x3b: {  	[tilespmem:$0x1E820] =	vst v3  }
0x3c: {  	[tilespmem:$0x1E830] =	vst v3  }
0x3d: {  	[tilespmem:$0x1E840] =	vst v3  }
0x3e: {  	[tilespmem:$0x1E850] =	vst v3  }
0x3f: {  	[tilespmem:$0x1E860] =	vst v3  }
0x40: {  	[tilespmem:$0x1E870] =	vst v3  }
0x41: {  	[tilespmem:$0x1E880] =	vst v3  }
0x42: {  	[tilespmem:$0x1E890] =	vst v3  }
0x43: {  	[tilespmem:$0x1E8A0] =	vst v3  }
0x44: {  	[tilespmem:$0x1E8B0] =	vst v3  }
0x45: {  	[tilespmem:$0x1E8C0] =	vst v3  }
0x46: {  	[tilespmem:$0x1E8D0] =	vst v3  }
0x47: {  	[tilespmem:$0x1E8E0] =	vst v3  }
0x48: {  	[tilespmem:$0x1E8F0] =	vst v3  }
0x49: {  	[tilespmem:$0x1E900] =	vst v3  }
0x4a: {  	[tilespmem:$0x1E910] =	vst v3  }
0x4b: {  	[tilespmem:$0x1E920] =	vst v3  }
.Ltmp2:
0x4c: {  	[tilespmem:$0x1E930] =	vst v3;
	(pc) =	sbr.rel .LBB2_2-.Ltmp2, $4  }
0x4d: {  	[tilespmem:$0x1E940] =	vst v3  }
0x4e: {  	[tilespmem:$0x1E950] =	vst v3  }
0x4f: {  	[tilespmem:$0x1E960] =	vst v3  }
0x50: {  	[dreg:$0x1a] =	wrdreg s6;
	[tilespmem:$0x1E970] =	vst v3;
	s12 =	simm.s32 $0x0  }
.LBB2_14:
0x51: {  	[tilespmem:s26+$0x15A80] =	vst v0  }
0x52: {  	[tilespmem:s26+$0x15F80] =	vst v1  }
0x53: {  	[tilespmem:s26+$0x15A90] =	vst v0  }
0x54: {  	[tilespmem:s26+$0x15F90] =	vst v1  }
0x55: {  	[tilespmem:s26+$0x15AA0] =	vst v0  }
0x56: {  	[tilespmem:s26+$0x15FA0] =	vst v1  }
0x57: {  	[tilespmem:s26+$0x15AB0] =	vst v0  }
0x58: {  	[tilespmem:s26+$0x15FB0] =	vst v1  }
0x59: {  	[tilespmem:s26+$0x15AC0] =	vst v0  }
0x5a: {  	[tilespmem:s26+$0x15FC0] =	vst v1  }
0x5b: {  	[tilespmem:s26+$0x15AD0] =	vst v0  }
0x5c: {  	[tilespmem:s26+$0x15FD0] =	vst v1;
	s0 =	sshrl.u32 s19, $0x1F  }
0x5d: {  	[tilespmem:s26+$0x15AE0] =	vst v0;
	s0 =	sadd.s32 s0, s19  }
0x5e: {  	[tilespmem:s26+$0x15FE0] =	vst v1;
	s0 =	sand.u32 $0xFFFFFFFE, s0  }
0x5f: {  	[tilespmem:s26+$0x15AF0] =	vst v0;
	p3 =	sgt.s32 s19, $0x1;
	s0 =	ssub.s32 s19, s0  }
0x60: {  	[tilespmem:s26+$0x15FF0] =	vst v1;
	s6 =	sadd.s32 @p3 $0x5, s0  }
0x61: {  	_ =	swait.ge @p3 [sflag:s6], $0x4000  }
0x62: {  	[sflag:s6] =	ssyncset.done @p3 $0x0  }
0x63: {  	[sflag:s6] =	ssyncadd.s32 @p3 $0xFFFFC000  }
0x64: {  	_ =	swait.ge @p3 [sflag:s6], $0x80  }
0x65: {  	[sflag:s6] =	ssyncset.done @p3 $0x0  }
0x66: {  	[sflag:s6] =	ssyncadd.s32 @p3 $0xFFFFFF80  }
0x67: {  	v4 =	vld [tilespmem:$0x15A80];
	_ =	sdelay $0x3  }
0x68: {  	s30 =	sshll.u32 s0, $0x7  }
0x69: {  	[tilespmem:s30+$0x16480] =	vst v4  }
0x6a: {  	v4 =	vld [tilespmem:$0x15F80];
	_ =	sdelay $0x4  }
0x6b: {  	[tilespmem:s30+$0x16580] =	vst v4  }
0x6c: {  	v4 =	vld [tilespmem:$0x15A90];
	_ =	sdelay $0x4  }
0x6d: {  	[tilespmem:s30+$0x16490] =	vst v4  }
0x6e: {  	v4 =	vld [tilespmem:$0x15F90];
	_ =	sdelay $0x4  }
0x6f: {  	[tilespmem:s30+$0x16590] =	vst v4  }
0x70: {  	v4 =	vld [tilespmem:$0x15AA0];
	_ =	sdelay $0x4  }
0x71: {  	[tilespmem:s30+$0x164A0] =	vst v4  }
0x72: {  	v4 =	vld [tilespmem:$0x15FA0];
	_ =	sdelay $0x4  }
0x73: {  	[tilespmem:s30+$0x165A0] =	vst v4  }
0x74: {  	v4 =	vld [tilespmem:$0x15AB0];
	_ =	sdelay $0x4  }
0x75: {  	[tilespmem:s30+$0x164B0] =	vst v4  }
0x76: {  	v4 =	vld [tilespmem:$0x15FB0];
	_ =	sdelay $0x4  }
0x77: {  	[tilespmem:s30+$0x165B0] =	vst v4  }
0x78: {  	v4 =	vld [tilespmem:$0x15AC0];
	_ =	sdelay $0x4  }
0x79: {  	[tilespmem:s30+$0x164C0] =	vst v4  }
0x7a: {  	v4 =	vld [tilespmem:$0x15FC0];
	_ =	sdelay $0x4  }
0x7b: {  	[tilespmem:s30+$0x165C0] =	vst v4  }
0x7c: {  	v4 =	vld [tilespmem:$0x15AD0];
	_ =	sdelay $0x4  }
0x7d: {  	[tilespmem:s30+$0x164D0] =	vst v4  }
0x7e: {  	v4 =	vld [tilespmem:$0x15FD0];
	_ =	sdelay $0x4  }
0x7f: {  	[tilespmem:s30+$0x165D0] =	vst v4  }
0x80: {  	v4 =	vld [tilespmem:$0x15AE0];
	_ =	sdelay $0x4  }
0x81: {  	[tilespmem:s30+$0x164E0] =	vst v4  }
0x82: {  	v4 =	vld [tilespmem:$0x15FE0];
	_ =	sdelay $0x4  }
0x83: {  	[tilespmem:s30+$0x165E0] =	vst v4  }
0x84: {  	v4 =	vld [tilespmem:$0x15AF0];
	_ =	sdelay $0x4  }
0x85: {  	[tilespmem:s30+$0x164F0] =	vst v4  }
0x86: {  	v4 =	vld [tilespmem:$0x15FF0];
	_ =	sdelay $0x2  }
0x87: {  	s13 =	sshll.u32 s0, $0x10  }
0x88: {  	s13 =	sshra.s32 s13, $0x2  }
0x89: {  	s20 =	sadd.s32 $0x1, s0;
	s14 =	sadd.s32 $0x16480, s30;
	s13 =	sadd.s32 $0x16680, s13;
	[tilespmem:s30+$0x165F0] =	vst v4  }
0x8a: {  	[tilespmem:s13], [sflag:s20] =	stream.indirect.gather [hbm4b:s1+s10], $0x80, s14, s10, $0xb8;
	[tilespmem:$0x1E980] =	vst v63  }
0x8b: {  	s14 =	sadd.s32 $0x1, s19  }
0x8c: {  	p3 =	slt.s32 s14, $0x2  }
0x8d: {  	s19 =	sxor.u32 @!p3 $0xFFFFFFFF, s19  }
0x8e: {  	s19 =	sand.u32 @!p3 $0x1, s19  }
0x8f: {  	s21 =	sadd.s32 @!p3 $0x1, s19  }
0x90: {  	_ =	swait.ge @!p3 [sflag:s21], $0x4000  }
0x91: {  	s22 =	sshll.u32 @!p3 s19, $0xE;
	[sflag:s21] =	ssyncset.done @!p3 $0x0  }
0x92: {  	[sflag:s21] =	ssyncadd.s32 @!p3 $0xFFFFC000;
	s21 =	sadd.s32 @!p3 $0x16680, s22;
	s22 =	sshll.u32 @!p3 s19, $0x7  }
0x93: {  	s23 =	simm.s32 @!p3 $0x80;
	s19 =	sadd.s32 @!p3 $0x5, s19;
	s22 =	sadd.s32 @!p3 $0x16580, s22  }
0x94: {  	[spmem:s3] =	stream.indirect.scatter.add.f32 @!p3 [tilespmem:s21], [sflag:s19], $0x80, s22, s23, $0xb8;
	[tilespmem:$0x1E980] =	vst v63  }
0x95: {  	s21 =	simm.s32 @!p3 $0x1E680  }
0x96: {  	[spmem:s4] =	stream.indirect.scatter.add.f32 @!p3 [tilespmem:s21], [sflag:s19], $0x1, s22, s23, $0xb8;
	[tilespmem:$0x1E980] =	vst v63  }
0x97: {  	_ =	swait.ge [sflag:s20], $0x4000  }
0x98: {  	[sflag:s20] =	ssyncset.done $0x0  }
0x99: {  	s0 =	sadd.s32 $0x5, s0;
	s6 =	sadd.s32 $0x16580, s30;
	[sflag:s20] =	ssyncadd.s32 $0xFFFFC000  }
0x9a: {  	[spmem:s3] =	stream.indirect.scatter.add.f32 [tilespmem:s13], [sflag:s0], $0x80, s6, s10, $0xb8;
	[tilespmem:$0x1E980] =	vst v63  }
0x9b: {  	s31 =	simm.s32 $0x1E680  }
0x9c: {  	[spmem:s4] =	stream.indirect.scatter.add.f32 [tilespmem:s31], [sflag:s0], $0x1, s6, s10, $0xb8;
	[tilespmem:$0x1E980] =	vst v63  }
0x9d: {  	s6 =	sand.u32 @!p3 $0x1, s14  }
0x9e: {  	s6 =	sadd.s32 @!p3 $0x5, s6  }
0x9f: {  	_ =	swait.ge @!p3 [sflag:s6], $0x4000  }
0xa0: {  	[sflag:s6] =	ssyncset.done @!p3 $0x0  }
0xa1: {  	[sflag:s6] =	ssyncadd.s32 @!p3 $0xFFFFC000  }
0xa2: {  	_ =	swait.ge @!p3 [sflag:s6], $0x80  }
0xa3: {  	[sflag:s6] =	ssyncset.done @!p3 $0x0  }
0xa4: {  	[sflag:s6] =	ssyncadd.s32 @!p3 $0xFFFFFF80  }
0xa5: {  	_ =	swait.ge [sflag:s0], $0x4000  }
0xa6: {  	[sflag:s0] =	ssyncset.done $0x0  }
0xa7: {  	[sflag:s0] =	ssyncadd.s32 $0xFFFFC000  }
0xa8: {  	_ =	swait.ge [sflag:s0], $0x80  }
0xa9: {  	s6 =	smul.u32 @p2 $0x140000, s15;
	[sflag:s0] =	ssyncset.done $0x0  }
0xaa: {  	s13 =	stileid.u32;
	[sflag:s0] =	ssyncadd.s32 $0xFFFFFF80;
	s0 =	rddreg [dreg:$0x14]  }
0xab: {  	s13 =	sshll.u32 @p2 s13, $0x6;
	s0 =	sadd.s32 @p2 s0, s6  }
0xac: {  	s13 =	sor.u32 @p2 $0x1C07, s13;
	s0 =	sshrl.u32 @p2 s0, $0x3  }
0xad: {  	s14 =	sshrl.u32 @p2 s28, $0x3;
	[bflag:$0x0] =	sbarrier.arrive $0xFFFF;
	s0 =	sadd.s32 @p2 s9, s0  }
0xae: {  	[hbm:s0], [sflag:s13] =	dma.local @p2 [spmem:s14], $0x800  }
0xaf: {  	s0 =	rddreg [dreg:$0xb]  }
0xb0: {  	s0 =	sadd.s32 @p2 s0, s6  }
0xb1: {  	s14 =	rddreg [dreg:$0x15];
	s0 =	sshrl.u32 @p2 s0, $0x3  }
0xb2: {  	s14 =	sshrl.u32 @p2 s14, $0x3;
	s0 =	sadd.s32 @p2 s9, s0  }
0xb3: {  	[hbm:s0], [sflag:s13] =	dma.local @p2 [spmem:s14], $0x800  }
0xb4: {  	s0 =	rddreg [dreg:$0xc]  }
0xb5: {  	s0 =	sadd.s32 @p2 s0, s6  }
0xb6: {  	s14 =	rddreg [dreg:$0x16];
	s0 =	sshrl.u32 @p2 s0, $0x3  }
0xb7: {  	s14 =	sshrl.u32 @p2 s14, $0x3;
	s0 =	sadd.s32 @p2 s9, s0  }
0xb8: {  	[hbm:s0], [sflag:s13] =	dma.local @p2 [spmem:s14], $0x800  }
0xb9: {  	s0 =	rddreg [dreg:$0xd]  }
0xba: {  	s0 =	sadd.s32 @p2 s0, s6  }
0xbb: {  	s14 =	rddreg [dreg:$0x17];
	s0 =	sshrl.u32 @p2 s0, $0x3  }
0xbc: {  	s14 =	sshrl.u32 @p2 s14, $0x3;
	s0 =	sadd.s32 @p2 s9, s0  }
0xbd: {  	[hbm:s0], [sflag:s13] =	dma.local @p2 [spmem:s14], $0x800  }
0xbe: {  	s0 =	rddreg [dreg:$0xe]  }
0xbf: {  	s0 =	sadd.s32 @p2 s0, s6  }
0xc0: {  	s6 =	rddreg [dreg:$0x18];
	s0 =	sshrl.u32 @p2 s0, $0x3  }
0xc1: {  	s6 =	sshrl.u32 @p2 s6, $0x3;
	s0 =	sadd.s32 @p2 s9, s0  }
0xc2: {  	[hbm:s0], [sflag:s13] =	dma.local @p2 [spmem:s6], $0x800  }
0xc3: {  	s0 =	sshll.u32 @p2 s15, $0x7;
	s6 =	rddreg [dreg:$0x19]  }
0xc4: {  	s19 =	simm.s32 @p2 $0x10;
	s22 =	rddreg [dreg:$0x13];
	s0 =	sadd.s32 @p2 s6, s0  }
0xc5: {  	s14 =	simm.s32 @p2 $0x1;
	s6 =	rddreg [dreg:$0x7];
	s0 =	sshrl.u32 @p2 s0, $0x3  }
0xc6: {  	s15 =	simm.s32 @p2 $0x80;
	s0 =	sadd.s32 @p2 s6, s0;
	s6 =	sshrl.u32 @p2 s22, $0x3  }
0xc7: {  	[hbm:s0@s15], [sflag:s13] =	dma.strided @p2 [spmem:s6@s19], $0x50, s14, $0x10   }
0xc8: {  	s0 =	simm.s32 @p2 $0x7  }
0xc9: {  	_ =	swait.ge @p2 [sflag:s0], $0x800  }
0xca: {  	[sflag:s0] =	ssyncset.done @p2 $0x0  }
0xcb: {  	[sflag:s0] =	ssyncadd.s32 @p2 $0xFFFFF800  }
0xcc: {  	_ =	swait.ge @p2 [sflag:s0], $0x800  }
0xcd: {  	[sflag:s0] =	ssyncset.done @p2 $0x0  }
0xce: {  	[sflag:s0] =	ssyncadd.s32 @p2 $0xFFFFF800  }
0xcf: {  	_ =	swait.ge @p2 [sflag:s0], $0x800  }
0xd0: {  	[sflag:s0] =	ssyncset.done @p2 $0x0  }
0xd1: {  	[sflag:s0] =	ssyncadd.s32 @p2 $0xFFFFF800  }
0xd2: {  	_ =	swait.ge @p2 [sflag:s0], $0x800  }
0xd3: {  	[sflag:s0] =	ssyncset.done @p2 $0x0  }
0xd4: {  	s12 =	sadd.s32 $0x1, s12;
	[sflag:s0] =	ssyncadd.s32 @p2 $0xFFFFF800  }
0xd5: {  	p3 =	sne.s32 s12, $0x4;
	_ =	swait.ge @p2 [sflag:s0], $0x800  }
.Ltmp3:
0xd6: {  	[sflag:s0] =	ssyncset.done @p2 $0x0;
	(pc) =	sbr.rel @!p3 .LBB2_15-.Ltmp3, $4  }
0xd7: {  	[sflag:s0] =	ssyncadd.s32 @p2 $0xFFFFF800  }
0xd8: {  	_ =	swait.ge @p2 [sflag:s0], $0x50  }
0xd9: {  	[sflag:s0] =	ssyncset.done @p2 $0x0  }
0xda: {  	s20 =	smov.u32 s28;
	[sflag:s0] =	ssyncadd.s32 @p2 $0xFFFFFFB0  }
.LBB2_2:
0xdb: {  	s6 =	simm.s32 $0x0;
	s0 =	simm.s32 $0x200  }
.LBB2_3:
0xdc: {  	p2 =	sne.s32 s0, $0xFE00;
	[tilespmem:s6+$0x166F0] =	vst v3  }
0xdd: {  	[tilespmem:s6+$0x16680] =	vst v3  }
0xde: {  	[tilespmem:s6+$0x16690] =	vst v3  }
.Ltmp4:
0xdf: {  	[tilespmem:s6+$0x166A0] =	vst v3;
	(pc) =	sbr.rel @p2 .LBB2_3-.Ltmp4, $4  }
0xe0: {  	[tilespmem:s6+$0x166B0] =	vst v3  }
0xe1: {  	[tilespmem:s6+$0x166C0] =	vst v3  }
0xe2: {  	[tilespmem:s6+$0x166D0] =	vst v3  }
0xe3: {  	[tilespmem:s6+$0x166E0] =	vst v3;
	s6 =	sshra.s32 s0, $0x2;
	s0 =	sadd.s32 $0x200, s0  }
0xe4: {  	[tilespmem:s6+$0x166F0] =	vst v3  }
0xe5: {  	[tilespmem:s6+$0x16680] =	vst v3;
	p3 =	seq.s32 s12, $0x3;
	s0 =	simm.s32 $0x1400;
	s19 =	simm.s32 $0x1400  }
0xe6: {  	[tilespmem:s6+$0x16690] =	vst v3;
	s0 =	simm.s32 @!p0 $0x0;
	s19 =	simm.s32 @!p3 $0x2800  }
0xe7: {  	[tilespmem:s6+$0x166A0] =	vst v3;
	s13 =	rddreg [dreg:$0x9];
	s0 =	simm.s32 @!p3 $0x0;
	s19 =	simm.s32 @!p1 $0x2800  }
0xe8: {  	[tilespmem:s6+$0x166B0] =	vst v3;
	p2 =	sge.u32 s13, s0;
	p4 =	slt.u32 s13, s19  }
0xe9: {  	[tilespmem:s6+$0x166C0] =	vst v3;
	p2 =	por !p2, !p4  }
0xea: {  	[tilespmem:s6+$0x166D0] =	vst v3;
	p2 =	por !p2, !p2  }
0xeb: {  	[tilespmem:s6+$0x166E0] =	vst v3;
	s6 =	simm.s32 @p2 $0x16680  }
0xec: {  	[spmem:s20] =	stream.linear.scatter @p2 [tilespmem:s6], [sflag:$0x7], $0x4000, $0x38;
	[tilespmem:$0x1E980] =	vst v63  }
0xed: {  	s13 =	rddreg [dreg:$0xa]  }
0xee: {  	[spmem:s13] =	stream.linear.scatter @p2 [tilespmem:s6], [sflag:$0x7], $0x4000, $0x38;
	[tilespmem:$0x1E980] =	vst v63  }
0xef: {  	s13 =	rddreg [dreg:$0x10]  }
0xf0: {  	[spmem:s13] =	stream.linear.scatter @p2 [tilespmem:s6], [sflag:$0x7], $0x4000, $0x38;
	[tilespmem:$0x1E980] =	vst v63  }
0xf1: {  	s13 =	rddreg [dreg:$0x11]  }
0xf2: {  	[spmem:s13] =	stream.linear.scatter @p2 [tilespmem:s6], [sflag:$0x7], $0x4000, $0x38;
	[tilespmem:$0x1E980] =	vst v63  }
0xf3: {  	s13 =	rddreg [dreg:$0x12]  }
0xf4: {  	[spmem:s13] =	stream.linear.scatter @p2 [tilespmem:s6], [sflag:$0x7], $0x4000, $0x38;
	[tilespmem:$0x1E980] =	vst v63  }
0xf5: {  	s6 =	simm.s32 @p2 $0x1E700  }
0xf6: {  	[spmem:s22] =	stream.linear.scatter @p2 [tilespmem:s6], [sflag:$0x7], $0x280, $0x38;
	[tilespmem:$0x1E980] =	vst v63  }
0xf7: {  	s6 =	simm.s32 @p2 $0x7  }
0xf8: {  	_ =	swait.ge @p2 [sflag:s6], $0x4000  }
0xf9: {  	[sflag:s6] =	ssyncset.done @p2 $0x0  }
0xfa: {  	[sflag:s6] =	ssyncadd.s32 @p2 $0xFFFFC000  }
0xfb: {  	_ =	swait.ge @p2 [sflag:s6], $0x4000  }
0xfc: {  	[sflag:s6] =	ssyncset.done @p2 $0x0  }
0xfd: {  	[sflag:s6] =	ssyncadd.s32 @p2 $0xFFFFC000  }
0xfe: {  	_ =	swait.ge @p2 [sflag:s6], $0x4000  }
0xff: {  	[sflag:s6] =	ssyncset.done @p2 $0x0  }
0x100: {  	[sflag:s6] =	ssyncadd.s32 @p2 $0xFFFFC000  }
0x101: {  	_ =	swait.ge @p2 [sflag:s6], $0x4000  }
0x102: {  	[sflag:s6] =	ssyncset.done @p2 $0x0  }
0x103: {  	[sflag:s6] =	ssyncadd.s32 @p2 $0xFFFFC000  }
0x104: {  	_ =	swait.ge @p2 [sflag:s6], $0x4000  }
0x105: {  	[sflag:s6] =	ssyncset.done @p2 $0x0  }
0x106: {  	[sflag:s6] =	ssyncadd.s32 @p2 $0xFFFFC000  }
0x107: {  	_ =	swait.ge @p2 [sflag:s6], $0x280  }
0x108: {  	[sflag:s6] =	ssyncset.done @p2 $0x0  }
0x109: {  	[sflag:s6] =	ssyncadd.s32 @p2 $0xFFFFFD80  }
0x10a: {  	s21 =	simm.s32 $0x0;
	s31 =	simm.s32 $0x14280;
	[bflag:$0x0] =	sbarrier.arrive $0xFFFF  }
0x10b: {  	[tilespmem:s31], [sflag:$0x3] =	stream.linear.gather [hbm4b:s16+s21], $0x80, $0x38;
	[tilespmem:$0x1E980] =	vst v63  }
0x10c: {  	s14 =	simm.s32 $0x14380;
	s13 =	sadd.s32 $0x10, s16  }
0x10d: {  	[tilespmem:s14], [sflag:$0x3] =	stream.linear.gather [hbm4b:s13+s21], $0x80, $0x38;
	[tilespmem:$0x1E980] =	vst v63  }
0x10e: {  	s28 =	smov.u32 s20;
	s15 =	sadd.s32 $0x20, s16;
	s20 =	simm.s32 $0x14480  }
0x10f: {  	[tilespmem:s20], [sflag:$0x3] =	stream.linear.gather [hbm4b:s15+s21], $0x80, $0x38;
	[tilespmem:$0x1E980] =	vst v63  }
0x110: {  	s23 =	simm.s32 $0x14580;
	s22 =	sadd.s32 $0x30, s16  }
0x111: {  	[tilespmem:s23], [sflag:$0x3] =	stream.linear.gather [hbm4b:s22+s21], $0x80, $0x38;
	[tilespmem:$0x1E980] =	vst v63  }
0x112: {  	s24 =	sadd.s32 $0x40, s16;
	s25 =	simm.s32 $0x14680  }
0x113: {  	[tilespmem:s25], [sflag:$0x3] =	stream.linear.gather [hbm4b:s24+s21], $0x80, $0x38;
	[tilespmem:$0x1E980] =	vst v63  }
0x114: {  	s26 =	sadd.s32 $0x50, s16;
	s29 =	simm.s32 $0x14780  }
0x115: {  	[tilespmem:s29], [sflag:$0x3] =	stream.linear.gather [hbm4b:s26+s21], $0x80, $0x38;
	[tilespmem:$0x1E980] =	vst v63  }
0x116: {  	s30 =	sadd.s32 $0x60, s16;
	s31 =	simm.s32 $0x14880  }
0x117: {  	[tilespmem:s31], [sflag:$0x3] =	stream.linear.gather [hbm4b:s30+s21], $0x80, $0x38;
	[tilespmem:$0x1E980] =	vst v63  }
0x118: {  	s14 =	sadd.s32 $0x70, s16;
	s15 =	simm.s32 $0x14980  }
0x119: {  	[tilespmem:s15], [sflag:$0x3] =	stream.linear.gather [hbm4b:s14+s21], $0x80, $0x38;
	[tilespmem:$0x1E980] =	vst v63  }
0x11a: {  	s20 =	simm.s32 $0x14A80  }
0x11b: {  	[tilespmem:s20], [sflag:$0x3] =	stream.linear.gather [hbm4b:s17+s21], $0x80, $0x38;
	[tilespmem:$0x1E980] =	vst v63  }
0x11c: {  	s22 =	sadd.s32 $0x10, s17;
	s23 =	simm.s32 $0x14B80  }
0x11d: {  	[tilespmem:s23], [sflag:$0x3] =	stream.linear.gather [hbm4b:s22+s21], $0x80, $0x38;
	[tilespmem:$0x1E980] =	vst v63  }
0x11e: {  	s24 =	sadd.s32 $0x20, s17;
	s25 =	simm.s32 $0x14C80  }
0x11f: {  	[tilespmem:s25], [sflag:$0x3] =	stream.linear.gather [hbm4b:s24+s21], $0x80, $0x38;
	[tilespmem:$0x1E980] =	vst v63  }
0x120: {  	s26 =	sadd.s32 $0x30, s17;
	s29 =	simm.s32 $0x14D80  }
0x121: {  	[tilespmem:s29], [sflag:$0x3] =	stream.linear.gather [hbm4b:s26+s21], $0x80, $0x38;
	[tilespmem:$0x1E980] =	vst v63  }
0x122: {  	s30 =	sadd.s32 $0x40, s17;
	s31 =	simm.s32 $0x14E80  }
0x123: {  	[tilespmem:s31], [sflag:$0x3] =	stream.linear.gather [hbm4b:s30+s21], $0x80, $0x38;
	[tilespmem:$0x1E980] =	vst v63  }
0x124: {  	s14 =	sadd.s32 $0x50, s17;
	s15 =	simm.s32 $0x14F80  }
0x125: {  	[tilespmem:s15], [sflag:$0x3] =	stream.linear.gather [hbm4b:s14+s21], $0x80, $0x38;
	[tilespmem:$0x1E980] =	vst v63  }
0x126: {  	s20 =	sadd.s32 $0x60, s17;
	s22 =	simm.s32 $0x15080  }
0x127: {  	[tilespmem:s22], [sflag:$0x3] =	stream.linear.gather [hbm4b:s20+s21], $0x80, $0x38;
	[tilespmem:$0x1E980] =	vst v63  }
0x128: {  	s23 =	sadd.s32 $0x70, s17;
	s24 =	simm.s32 $0x15180  }
0x129: {  	[tilespmem:s24], [sflag:$0x3] =	stream.linear.gather [hbm4b:s23+s21], $0x80, $0x38;
	[tilespmem:$0x1E980] =	vst v63  }
0x12a: {  	s25 =	simm.s32 $0x15280  }
0x12b: {  	[tilespmem:s25], [sflag:$0x3] =	stream.linear.gather [hbm4b:s18+s21], $0x80, $0x38;
	[tilespmem:$0x1E980] =	vst v63  }
0x12c: {  	s26 =	sadd.s32 $0x10, s18;
	s29 =	simm.s32 $0x15380  }
0x12d: {  	[tilespmem:s29], [sflag:$0x3] =	stream.linear.gather [hbm4b:s26+s21], $0x80, $0x38;
	[tilespmem:$0x1E980] =	vst v63  }
0x12e: {  	s30 =	sadd.s32 $0x20, s18;
	s31 =	simm.s32 $0x15480  }
0x12f: {  	[tilespmem:s31], [sflag:$0x3] =	stream.linear.gather [hbm4b:s30+s21], $0x80, $0x38;
	[tilespmem:$0x1E980] =	vst v63  }
0x130: {  	s14 =	sadd.s32 $0x30, s18;
	s15 =	simm.s32 $0x15580  }
0x131: {  	[tilespmem:s15], [sflag:$0x3] =	stream.linear.gather [hbm4b:s14+s21], $0x80, $0x38;
	[tilespmem:$0x1E980] =	vst v63  }
0x132: {  	s20 =	sadd.s32 $0x40, s18;
	s22 =	simm.s32 $0x15680  }
0x133: {  	[tilespmem:s22], [sflag:$0x3] =	stream.linear.gather [hbm4b:s20+s21], $0x80, $0x38;
	[tilespmem:$0x1E980] =	vst v63  }
0x134: {  	v6 =	vmov s19;
	s19 =	simm.s32 $0x0;
	s23 =	sadd.s32 $0x50, s18;
	s24 =	simm.s32 $0x15780  }
0x135: {  	[tilespmem:s24], [sflag:$0x3] =	stream.linear.gather [hbm4b:s23+s21], $0x80, $0x38;
	[tilespmem:$0x1E980] =	vst v63  }
.Ltmp5:
0x136: {  	s25 =	sadd.s32 $0x60, s18;
	s31 =	rddreg [dreg:$0x8];
	(pc) =	sbr.rel .LBB2_5-.Ltmp5, $4  }
0x137: {  	s26 =	simm.s32 $0x15880;
	s29 =	sadd.s32 $0x70, s18;
	s15 =	sadd.s32 s31, s12  }
0x138: {  	[tilespmem:s26], [sflag:$0x3] =	stream.linear.gather [hbm4b:s25+s21], $0x80, $0x38;
	[tilespmem:$0x1E980] =	vst v63  }
0x139: {  	s30 =	simm.s32 $0x15980;
	s15 =	simm.s32 @p3 $0x3;
	s26 =	simm.s32 $0x0  }
0x13a: {  	v5 =	vmov s0;
	v4 =	vmov s15;
	[tilespmem:s30], [sflag:$0x3] =	stream.linear.gather [hbm4b:s29+s21], $0x80, $0x38;
	[tilespmem:$0x1E980] =	vst v63  }
.LBB2_13:
0x13b: {  	v7 =	vld [tilespmem:s13+$0x15A80]  }
0x13c: {  	v8 =	vld [tilespmem:s13+$0x15F80];
	_ =	sdelay $0x3  }
0x13d: {  	[tilespmem:$0x15A80] =	vst v7  }
0x13e: {  	[tilespmem:$0x15F80] =	vst v8  }
0x13f: {  	v7 =	vld [tilespmem:s13+$0x15A90]  }
0x140: {  	v8 =	vld [tilespmem:s13+$0x15F90];
	_ =	sdelay $0x3  }
0x141: {  	[tilespmem:$0x15A90] =	vst v7  }
0x142: {  	[tilespmem:$0x15F90] =	vst v8  }
0x143: {  	v7 =	vld [tilespmem:s13+$0x15AA0]  }
0x144: {  	v8 =	vld [tilespmem:s13+$0x15FA0];
	_ =	sdelay $0x3  }
0x145: {  	[tilespmem:$0x15AA0] =	vst v7  }
0x146: {  	[tilespmem:$0x15FA0] =	vst v8  }
0x147: {  	v7 =	vld [tilespmem:s13+$0x15AB0]  }
0x148: {  	v8 =	vld [tilespmem:s13+$0x15FB0];
	_ =	sdelay $0x3  }
0x149: {  	[tilespmem:$0x15AB0] =	vst v7  }
0x14a: {  	[tilespmem:$0x15FB0] =	vst v8  }
0x14b: {  	v7 =	vld [tilespmem:s13+$0x15AC0]  }
0x14c: {  	v8 =	vld [tilespmem:s13+$0x15FC0];
	_ =	sdelay $0x3  }
0x14d: {  	[tilespmem:$0x15AC0] =	vst v7  }
0x14e: {  	[tilespmem:$0x15FC0] =	vst v8  }
0x14f: {  	v7 =	vld [tilespmem:s13+$0x15AD0]  }
0x150: {  	v8 =	vld [tilespmem:s13+$0x15FD0];
	_ =	sdelay $0x3  }
0x151: {  	[tilespmem:$0x15AD0] =	vst v7  }
0x152: {  	[tilespmem:$0x15FD0] =	vst v8  }
0x153: {  	v7 =	vld [tilespmem:s13+$0x15AE0]  }
0x154: {  	v8 =	vld [tilespmem:s13+$0x15FE0];
	_ =	sdelay $0x3  }
0x155: {  	[tilespmem:$0x15AE0] =	vst v7  }
0x156: {  	[tilespmem:$0x15FE0] =	vst v8  }
0x157: {  	v7 =	vld [tilespmem:s13+$0x15AF0]  }
0x158: {  	p3 =	seq.s32 s20, $0x14;
	v8 =	vld [tilespmem:s13+$0x15FF0]  }
.Ltmp6:
0x159: {  	_ = 	snop;
	(pc) =	sbr.rel @p3 .LBB2_14-.Ltmp6, $3  }
0x15a: {  	_ =	sdelay $0x1  }
0x15b: {  	[tilespmem:$0x15AF0] =	vst v7  }
0x15c: {  	s21 =	smov.u32 s20;
	[tilespmem:$0x15FF0] =	vst v8  }
.LBB2_5:
0x15d: {  	p3 =	seq.s32 s21, $0x13  }
.Ltmp7:
0x15e: {  	_ = 	snop;
	(pc) =	sbr.rel @p3 .LBB2_7-.Ltmp7, $2  }
0x15f: {  	_ =	sdelay $0x2  }
0x160: {  	s20 =	sadd.s32 $0x1, s21  }
0x161: {  	s0 =	sshll.u32 s20, $0xA  }
0x162: {  	s6 =	sshll.u32 s20, $0x7;
	s13 =	sadd.s32 s11, s0  }
0x163: {  	s22 =	sand.u32 $0x1, s20;
	s0 =	sand.u32 $0x80, s6;
	s6 =	sshrl.u32 s13, $0x3  }
0x164: {  	s22 =	sadd.s32 $0x3, s22;
	s24 =	sadd.s32 $0x14280, s0;
	s23 =	sadd.s32 s2, s6  }
0x165: {  	[tilespmem:s24], [sflag:s22] =	stream.linear.gather [hbm4b:s23+s5], $0x80, $0x38;
	[tilespmem:$0x1E980] =	vst v63  }
0x166: {  	s25 =	sadd.s32 $0x10, s23;
	s24 =	sadd.s32 $0x14380, s0  }
0x167: {  	[tilespmem:s24], [sflag:s22] =	stream.linear.gather [hbm4b:s25+s5], $0x80, $0x38;
	[tilespmem:$0x1E980] =	vst v63  }
0x168: {  	s30 =	sadd.s32 $0x14480, s0;
	s29 =	sadd.s32 $0x20, s23  }
0x169: {  	[tilespmem:s30], [sflag:s22] =	stream.linear.gather [hbm4b:s29+s5], $0x80, $0x38;
	[tilespmem:$0x1E980] =	vst v63  }
0x16a: {  	s14 =	sadd.s32 $0x14580, s0;
	s31 =	sadd.s32 $0x30, s23  }
0x16b: {  	[tilespmem:s14], [sflag:s22] =	stream.linear.gather [hbm4b:s31+s5], $0x80, $0x38;
	[tilespmem:$0x1E980] =	vst v63  }
0x16c: {  	s24 =	sadd.s32 $0x40, s23;
	s25 =	sadd.s32 $0x14680, s0  }
0x16d: {  	[tilespmem:s25], [sflag:s22] =	stream.linear.gather [hbm4b:s24+s5], $0x80, $0x38;
	[tilespmem:$0x1E980] =	vst v63  }
0x16e: {  	s29 =	sadd.s32 $0x50, s23;
	s30 =	sadd.s32 $0x14780, s0  }
0x16f: {  	[tilespmem:s30], [sflag:s22] =	stream.linear.gather [hbm4b:s29+s5], $0x80, $0x38;
	[tilespmem:$0x1E980] =	vst v63  }
0x170: {  	s31 =	sadd.s32 $0x60, s23;
	s14 =	sadd.s32 $0x14880, s0  }
0x171: {  	[tilespmem:s14], [sflag:s22] =	stream.linear.gather [hbm4b:s31+s5], $0x80, $0x38;
	[tilespmem:$0x1E980] =	vst v63  }
0x172: {  	s25 =	sadd.s32 $0x70, s23;
	s29 =	sadd.s32 $0x14980, s0  }
0x173: {  	[tilespmem:s29], [sflag:s22] =	stream.linear.gather [hbm4b:s25+s5], $0x80, $0x38;
	[tilespmem:$0x1E980] =	vst v63  }
0x174: {  	s23 =	sadd.s32 s7, s6;
	s30 =	sadd.s32 $0x14A80, s0  }
0x175: {  	[tilespmem:s30], [sflag:s22] =	stream.linear.gather [hbm4b:s23+s5], $0x80, $0x38;
	[tilespmem:$0x1E980] =	vst v63  }
0x176: {  	s31 =	sadd.s32 $0x10, s23;
	s14 =	sadd.s32 $0x14B80, s0  }
0x177: {  	[tilespmem:s14], [sflag:s22] =	stream.linear.gather [hbm4b:s31+s5], $0x80, $0x38;
	[tilespmem:$0x1E980] =	vst v63  }
0x178: {  	s24 =	sadd.s32 $0x20, s23;
	s25 =	sadd.s32 $0x14C80, s0  }
0x179: {  	[tilespmem:s25], [sflag:s22] =	stream.linear.gather [hbm4b:s24+s5], $0x80, $0x38;
	[tilespmem:$0x1E980] =	vst v63  }
0x17a: {  	s29 =	sadd.s32 $0x30, s23;
	s30 =	sadd.s32 $0x14D80, s0  }
0x17b: {  	[tilespmem:s30], [sflag:s22] =	stream.linear.gather [hbm4b:s29+s5], $0x80, $0x38;
	[tilespmem:$0x1E980] =	vst v63  }
0x17c: {  	s31 =	sadd.s32 $0x40, s23;
	s14 =	sadd.s32 $0x14E80, s0  }
0x17d: {  	[tilespmem:s14], [sflag:s22] =	stream.linear.gather [hbm4b:s31+s5], $0x80, $0x38;
	[tilespmem:$0x1E980] =	vst v63  }
0x17e: {  	s24 =	sadd.s32 $0x50, s23;
	s25 =	sadd.s32 $0x14F80, s0  }
0x17f: {  	[tilespmem:s25], [sflag:s22] =	stream.linear.gather [hbm4b:s24+s5], $0x80, $0x38;
	[tilespmem:$0x1E980] =	vst v63  }
0x180: {  	s29 =	sadd.s32 $0x60, s23;
	s30 =	sadd.s32 $0x15080, s0  }
0x181: {  	[tilespmem:s30], [sflag:s22] =	stream.linear.gather [hbm4b:s29+s5], $0x80, $0x38;
	[tilespmem:$0x1E980] =	vst v63  }
0x182: {  	s31 =	sadd.s32 $0x70, s23;
	s14 =	sadd.s32 $0x15180, s0  }
0x183: {  	[tilespmem:s14], [sflag:s22] =	stream.linear.gather [hbm4b:s31+s5], $0x80, $0x38;
	[tilespmem:$0x1E980] =	vst v63  }
0x184: {  	s6 =	sadd.s32 s8, s6;
	s23 =	sadd.s32 $0x15280, s0  }
0x185: {  	[tilespmem:s23], [sflag:s22] =	stream.linear.gather [hbm4b:s6+s5], $0x80, $0x38;
	[tilespmem:$0x1E980] =	vst v63  }
0x186: {  	s24 =	sadd.s32 $0x10, s6;
	s25 =	sadd.s32 $0x15380, s0  }
0x187: {  	[tilespmem:s25], [sflag:s22] =	stream.linear.gather [hbm4b:s24+s5], $0x80, $0x38;
	[tilespmem:$0x1E980] =	vst v63  }
0x188: {  	s29 =	sadd.s32 $0x20, s6;
	s30 =	sadd.s32 $0x15480, s0  }
0x189: {  	[tilespmem:s30], [sflag:s22] =	stream.linear.gather [hbm4b:s29+s5], $0x80, $0x38;
	[tilespmem:$0x1E980] =	vst v63  }
0x18a: {  	s31 =	sadd.s32 $0x30, s6;
	s14 =	sadd.s32 $0x15580, s0  }
0x18b: {  	[tilespmem:s14], [sflag:s22] =	stream.linear.gather [hbm4b:s31+s5], $0x80, $0x38;
	[tilespmem:$0x1E980] =	vst v63  }
0x18c: {  	s23 =	sadd.s32 $0x40, s6;
	s24 =	sadd.s32 $0x15680, s0  }
0x18d: {  	[tilespmem:s24], [sflag:s22] =	stream.linear.gather [hbm4b:s23+s5], $0x80, $0x38;
	[tilespmem:$0x1E980] =	vst v63  }
0x18e: {  	s25 =	sadd.s32 $0x50, s6;
	s29 =	sadd.s32 $0x15780, s0  }
0x18f: {  	[tilespmem:s29], [sflag:s22] =	stream.linear.gather [hbm4b:s25+s5], $0x80, $0x38;
	[tilespmem:$0x1E980] =	vst v63  }
0x190: {  	s30 =	sadd.s32 $0x60, s6;
	s31 =	sadd.s32 $0x15880, s0  }
0x191: {  	[tilespmem:s31], [sflag:s22] =	stream.linear.gather [hbm4b:s30+s5], $0x80, $0x38;
	[tilespmem:$0x1E980] =	vst v63  }
0x192: {  	s6 =	sadd.s32 $0x70, s6;
	s0 =	sadd.s32 $0x15980, s0  }
0x193: {  	[tilespmem:s0], [sflag:s22] =	stream.linear.gather [hbm4b:s6+s5], $0x80, $0x38;
	[tilespmem:$0x1E980] =	vst v63  }
.LBB2_7:
0x194: {  	s0 =	sand.u32 $0x1, s21  }
0x195: {  	s0 =	sadd.s32 $0x3, s0  }
0x196: {  	_ =	swait.ge [sflag:s0], $0x400  }
0x197: {  	[sflag:s0] =	ssyncset.done $0x0  }
0x198: {  	[sflag:s0] =	ssyncadd.s32 $0xFFFFFC00  }
0x199: {  	_ =	swait.ge [sflag:s0], $0x400  }
0x19a: {  	[sflag:s0] =	ssyncset.done $0x0  }
0x19b: {  	[sflag:s0] =	ssyncadd.s32 $0xFFFFFC00  }
0x19c: {  	s6 =	sshll.u32 s21, $0x7;
	s13 =	simm.s32 $0x0;
	_ =	swait.ge [sflag:s0], $0x400  }
0x19d: {  	s21 =	sand.u32 $0x80, s6;
	s6 =	sand.u32 $0x40, s13;
	[sflag:s0] =	ssyncset.done $0x0  }
0x19e: {  	[sflag:s0] =	ssyncadd.s32 $0xFFFFFC00;
	s0 =	sand.u32 $0x700, s13;
	s13 =	sor.u32 s21, s6  }
0x19f: {  	s13 =	sor.u32 s0, s13  }
0x1a0: {  	v7 =	vld [tilespmem:s13+$0x15280]  }
0x1a1: {  	v8 =	vld [tilespmem:s13+$0x14A80];
	_ =	sdelay $0x4  }
0x1a2: {  	vm0 =	veq.s32 v7, v4;
	vm1 =	vge.s32 v8, v5  }
0x1a3: {  	vm2 =	vlt.s32 v8, v6;
	vm0 =	vmand vm0, vm1  }
0x1a4: {  	vm0 =	vmand vm2, vm0  }
0x1a5: {  	v7 =	vmpcnt.ones.xlane vm0;
	_ =	sdelay $0x1  }
0x1a6: {  	(v2sf) =	vpush v7, $0x0  }
0x1a7: {  	v7 =	vld [tilespmem:s13+$0x14280];
	_ =	sdelay $0x3  }
0x1a8: {  	s22 =	sor.u32 $0x10, s21  }
0x1a9: {  	s14 =	sor.u32 s22, s6;
	[tilespmem:s26+$0x15A80] =	vst.msk vm0, v7  }
0x1aa: {  	s13 =	sor.u32 s0, s14;
	[tilespmem:s26+$0x15F80] =	vst.msk vm0, v8  }
0x1ab: {  	v7 =	vld [tilespmem:s13+$0x15280]  }
0x1ac: {  	v8 =	vld [tilespmem:s13+$0x14A80];
	_ =	sdelay $0x2  }
0x1ad: {  	v9 =	vld [tilespmem:s13+$0x14280];
	_ =	sdelay $0x1  }
0x1ae: {  	vm7 =	veq.s32 v7, v4;
	vm8 =	vge.s32 v8, v5  }
0x1af: {  	vm9 =	vlt.s32 v8, v6;
	vm0 =	vmand vm7, vm8;
	s23 =	spop (v2sf)  }
0x1b0: {  	s24 =	sor.u32 $0x20, s21;
	vm0 =	vmand vm9, vm0;
	s13 =	sadd.s32 s26, s23  }
0x1b1: {  	v7 =	vmpcnt.ones.xlane vm0;
	s23 =	sor.u32 s24, s6;
	[tilespmem:s13+$0x15A80] =	vst.msk vm0, v9  }
0x1b2: {  	s23 =	sor.u32 s0, s23;
	[tilespmem:s13+$0x15F80] =	vst.msk vm0, v8  }
0x1b3: {  	(v2sf) =	vpush v7, $0x0;
	v7 =	vld [tilespmem:s23+$0x15280]  }
0x1b4: {  	v8 =	vld [tilespmem:s23+$0x14A80];
	_ =	sdelay $0x4  }
0x1b5: {  	vm10 =	veq.s32 v7, v4;
	vm11 =	vge.s32 v8, v5  }
0x1b6: {  	vm12 =	vlt.s32 v8, v6;
	vm0 =	vmand vm10, vm11  }
0x1b7: {  	vm0 =	vmand vm12, vm0  }
0x1b8: {  	v7 =	vmpcnt.ones.xlane vm0;
	_ =	sdelay $0x1  }
0x1b9: {  	(v2sf) =	vpush v7, $0x0  }
0x1ba: {  	v7 =	vld [tilespmem:s23+$0x14280];
	_ =	sdelay $0x2  }
0x1bb: {  	s26 =	spop (v2sf)  }
0x1bc: {  	s25 =	sor.u32 $0x30, s21;
	s13 =	sadd.s32 s13, s26  }
0x1bd: {  	s6 =	sor.u32 s25, s6;
	[tilespmem:s13+$0x15A80] =	vst.msk vm0, v7  }
0x1be: {  	s0 =	sor.u32 s0, s6;
	[tilespmem:s13+$0x15F80] =	vst.msk vm0, v8  }
0x1bf: {  	v7 =	vld [tilespmem:s0+$0x15280]  }
0x1c0: {  	v8 =	vld [tilespmem:s0+$0x14A80];
	_ =	sdelay $0x2  }
0x1c1: {  	v9 =	vld [tilespmem:s0+$0x14280];
	_ =	sdelay $0x1  }
0x1c2: {  	vm13 =	veq.s32 v7, v4;
	vm14 =	vge.s32 v8, v5  }
0x1c3: {  	s6 =	simm.s32 $0x40;
	vm15 =	vlt.s32 v8, v6;
	vm0 =	vmand vm13, vm14;
	s14 =	spop (v2sf)  }
0x1c4: {  	s0 =	sand.u32 $0x40, s6;
	vm0 =	vmand vm15, vm0;
	s6 =	sadd.s32 s13, s14  }
0x1c5: {  	[tilespmem:s6+$0x15A80] =	vst.msk vm0, v9  }
0x1c6: {  	[tilespmem:s6+$0x15F80] =	vst.msk vm0, v8;
	v8 =	vmpcnt.ones.xlane vm0;
	_ =	sdelay $0x1  }
0x1c7: {  	(v2sf) =	vpush v8, $0x0;
	_ =	sdelay $0x4  }
0x1c8: {  	s29 =	simm.s32 $0x80  }
0x1c9: {  	s26 =	sand.u32 $0x700, s29;
	s23 =	sor.u32 s21, s0  }
0x1ca: {  	s14 =	sor.u32 s26, s23  }
0x1cb: {  	v9 =	vld [tilespmem:s14+$0x15280]  }
0x1cc: {  	v7 =	vld [tilespmem:s14+$0x14A80];
	_ =	sdelay $0x1  }
0x1cd: {  	s30 =	simm.s32 $0x80  }
0x1ce: {  	s31 =	sor.u32 s25, s0;
	s13 =	sor.u32 s22, s0;
	s23 =	sor.u32 s24, s0;
	v8 =	vld [tilespmem:s14+$0x14280]  }
.LBB2_8:
0x1cf: {  	p3 =	seq.s32 s30, $0x3C0;
	vm0 =	veq.s32 v9, v4;
	s0 =	smov.u32 s30;
	s30 =	sadd.s32 $0x40, s30  }
0x1d0: {  	vm1 =	vge.s32 v7, v5;
	vm2 =	vlt.s32 v7, v6  }
0x1d1: {  	vm0 =	vmand vm0, vm1;
	s14 =	spop (v2sf)  }
0x1d2: {  	vm0 =	vmand vm2, vm0;
	s6 =	sadd.s32 s6, s14  }
0x1d3: {  	[tilespmem:s6+$0x15A80] =	vst.msk vm0, v8;
	v8 =	vmpcnt.ones.xlane vm0  }
0x1d4: {  	s13 =	sor.u32 s26, s13;
	[tilespmem:s6+$0x15F80] =	vst.msk vm0, v7  }
0x1d5: {  	v7 =	vld [tilespmem:s13+$0x15280];
	(v2sf) =	vpush v8, $0x0  }
0x1d6: {  	v8 =	vld [tilespmem:s13+$0x14A80];
	_ =	sdelay $0x3  }
0x1d7: {  	vm0 =	veq.s32 v7, v4  }
0x1d8: {  	vm1 =	vge.s32 v8, v5;
	vm2 =	vlt.s32 v8, v6  }
0x1d9: {  	vm0 =	vmand vm0, vm1  }
0x1da: {  	vm0 =	vmand vm2, vm0  }
0x1db: {  	v7 =	vmpcnt.ones.xlane vm0;
	_ =	sdelay $0x1  }
0x1dc: {  	(v2sf) =	vpush v7, $0x0  }
0x1dd: {  	v7 =	vld [tilespmem:s13+$0x14280];
	_ =	sdelay $0x2  }
0x1de: {  	s13 =	spop (v2sf)  }
0x1df: {  	s6 =	sadd.s32 s6, s13  }
0x1e0: {  	[tilespmem:s6+$0x15A80] =	vst.msk vm0, v7  }
0x1e1: {  	s13 =	sor.u32 s26, s23;
	[tilespmem:s6+$0x15F80] =	vst.msk vm0, v8  }
0x1e2: {  	v7 =	vld [tilespmem:s13+$0x15280]  }
0x1e3: {  	v8 =	vld [tilespmem:s13+$0x14A80];
	_ =	sdelay $0x2  }
0x1e4: {  	v9 =	vld [tilespmem:s13+$0x14280];
	_ =	sdelay $0x1  }
0x1e5: {  	vm0 =	veq.s32 v7, v4;
	vm1 =	vge.s32 v8, v5  }
0x1e6: {  	vm0 =	vmand vm0, vm1;
	vm1 =	vlt.s32 v8, v6;
	s13 =	spop (v2sf)  }
0x1e7: {  	s6 =	sadd.s32 s6, s13;
	vm0 =	vmand vm1, vm0  }
0x1e8: {  	[tilespmem:s6+$0x15A80] =	vst.msk vm0, v9;
	v7 =	vmpcnt.ones.xlane vm0  }
0x1e9: {  	s13 =	sor.u32 s26, s31;
	[tilespmem:s6+$0x15F80] =	vst.msk vm0, v8  }
0x1ea: {  	v8 =	vld [tilespmem:s13+$0x15280];
	(v2sf) =	vpush v7, $0x0  }
0x1eb: {  	v7 =	vld [tilespmem:s13+$0x14A80]  }
0x1ec: {  	v9 =	vld [tilespmem:s13+$0x14280];
	_ =	sdelay $0x2  }
0x1ed: {  	vm0 =	veq.s32 v8, v4  }
0x1ee: {  	vm1 =	vge.s32 v7, v5;
	vm2 =	vlt.s32 v7, v6  }
0x1ef: {  	vm0 =	vmand vm0, vm1  }
0x1f0: {  	vm0 =	vmand vm2, vm0  }
0x1f1: {  	v8 =	vmpcnt.ones.xlane vm0;
	_ =	sdelay $0x1  }
0x1f2: {  	(v2sf) =	vpush v8, $0x0;
	_ =	sdelay $0x3  }
0x1f3: {  	s29 =	sadd.s32 $0x80, s29;
	s13 =	spop (v2sf)  }
0x1f4: {  	s0 =	sand.u32 $0x40, s0;
	s26 =	sand.u32 $0x700, s29;
	s6 =	sadd.s32 s6, s13  }
0x1f5: {  	s14 =	sor.u32 s21, s0;
	s23 =	sor.u32 s24, s0;
	s13 =	sor.u32 s22, s0;
	[tilespmem:s6+$0x15A80] =	vst.msk vm0, v9  }
0x1f6: {  	s31 =	sor.u32 s25, s0;
	s14 =	sor.u32 s26, s14;
	[tilespmem:s6+$0x15F80] =	vst.msk vm0, v7  }
.Ltmp8:
0x1f7: {  	v9 =	vld [tilespmem:s14+$0x15280];
	(pc) =	sbr.rel @!p3 .LBB2_8-.Ltmp8, $2  }
0x1f8: {  	v7 =	vld [tilespmem:s14+$0x14A80];
	_ =	sdelay $0x2  }
0x1f9: {  	v8 =	vld [tilespmem:s14+$0x14280]  }
0x1fa: {  	_ = 	snop  }
0x1fb: {  	vm0 =	veq.s32 v9, v4;
	vm1 =	vge.s32 v7, v5  }
0x1fc: {  	vm2 =	vlt.s32 v7, v6;
	vm0 =	vmand vm0, vm1;
	s0 =	spop (v2sf)  }
0x1fd: {  	vm0 =	vmand vm2, vm0;
	s0 =	sadd.s32 s6, s0  }
0x1fe: {  	[tilespmem:s0+$0x15A80] =	vst.msk vm0, v8;
	v8 =	vmpcnt.ones.xlane vm0  }
0x1ff: {  	s29 =	sor.u32 s26, s13;
	[tilespmem:s0+$0x15F80] =	vst.msk vm0, v7  }
0x200: {  	v7 =	vld [tilespmem:s29+$0x15280];
	(v2sf) =	vpush v8, $0x0  }
0x201: {  	v8 =	vld [tilespmem:s29+$0x14A80];
	_ =	sdelay $0x4  }
0x202: {  	vm7 =	veq.s32 v7, v4;
	vm8 =	vge.s32 v8, v5  }
0x203: {  	vm9 =	vlt.s32 v8, v6;
	vm0 =	vmand vm7, vm8  }
0x204: {  	vm0 =	vmand vm9, vm0  }
0x205: {  	v7 =	vmpcnt.ones.xlane vm0;
	_ =	sdelay $0x1  }
0x206: {  	(v2sf) =	vpush v7, $0x0  }
0x207: {  	v7 =	vld [tilespmem:s29+$0x14280];
	_ =	sdelay $0x2  }
0x208: {  	s6 =	spop (v2sf)  }
0x209: {  	s30 =	sadd.s32 s0, s6  }
0x20a: {  	[tilespmem:s30+$0x15A80] =	vst.msk vm0, v7  }
0x20b: {  	s14 =	sor.u32 s26, s23;
	[tilespmem:s30+$0x15F80] =	vst.msk vm0, v8  }
0x20c: {  	v7 =	vld [tilespmem:s14+$0x15280]  }
0x20d: {  	v8 =	vld [tilespmem:s14+$0x14A80];
	_ =	sdelay $0x2  }
0x20e: {  	v63 =	vld [tilespmem:s14+$0x14280];
	_ =	sdelay $0x1  }
0x20f: {  	vm10 =	veq.s32 v7, v4;
	vm11 =	vge.s32 v8, v5  }
0x210: {  	vm12 =	vlt.s32 v8, v6;
	vm0 =	vmand vm10, vm11;
	s21 =	spop (v2sf)  }
0x211: {  	s13 =	sadd.s32 s30, s21;
	vm0 =	vmand vm12, vm0  }
0x212: {  	[tilespmem:s13+$0x15A80] =	vst.msk vm0, v63  }
0x213: {  	s31 =	sor.u32 s26, s31;
	[tilespmem:s13+$0x15F80] =	vst.msk vm0, v8  }
0x214: {  	v7 =	vld [tilespmem:s31+$0x15280]  }
0x215: {  	v8 =	vld [tilespmem:s31+$0x14A80];
	_ =	sdelay $0x4  }
0x216: {  	vm13 =	veq.s32 v7, v4;
	vm14 =	vge.s32 v8, v5  }
0x217: {  	v7 =	vmpcnt.ones.xlane vm0;
	vm15 =	vlt.s32 v8, v6;
	vm1 =	vmand vm13, vm14  }
0x218: {  	vm0 =	vmand vm15, vm1  }
0x219: {  	(v2sf) =	vpush v7, $0x0;
	v7 =	vmpcnt.ones.xlane vm0;
	_ =	sdelay $0x1  }
0x21a: {  	(v2sf) =	vpush v7, $0x0;
	_ =	sdelay $0xd  }
0x21b: {  	s22 =	spop (v2sf)  }
0x21c: {  	s13 =	sadd.s32 s13, s22;
	s23 =	spop (v2sf)  }
0x21d: {  	v7 =	vld [tilespmem:s31+$0x14280];
	s26 =	sadd.s32 s13, s23  }
0x21e: {  	p3 =	slt.s32 s26, $0x80  }
.Ltmp9:
0x21f: {  	_ = 	snop;
	(pc) =	sbr.rel @p3 .LBB2_13-.Ltmp9, $3  }
0x220: {  	_ =	sdelay $0x1  }
0x221: {  	[tilespmem:s13+$0x15A80] =	vst.msk vm0, v7  }
0x222: {  	[tilespmem:s13+$0x15F80] =	vst.msk vm0, v8;
	s13 =	simm.s32 $0x0  }
0x223: {  	s13 =	sadd.s32 s23, s22  }
0x224: {  	s6 =	sadd.s32 s6, s13  }
0x225: {  	s6 =	sadd.s32 s21, s6  }
0x226: {  	s22 =	simm.s32 $0x15AC0;
	s0 =	sadd.s32 s0, s6  }
0x227: {  	s21 =	simm.s32 $0x15FC0;
	[dreg:$0x6] =	wrdreg s0;
	s0 =	simm.s32 $0x0  }
.LBB2_11:
0x228: {  	s6 =	sshrl.u32 s19, $0x1F  }
0x229: {  	s6 =	sadd.s32 s6, s19  }
0x22a: {  	s6 =	sand.u32 $0xFFFFFFFE, s6  }
0x22b: {  	p3 =	slt.s32 s19, $0x2;
	s6 =	ssub.s32 s19, s6  }
0x22c: {  	s13 =	sadd.s32 @!p3 $0x5, s6  }
0x22d: {  	_ =	swait.ge @!p3 [sflag:s13], $0x4000  }
0x22e: {  	[sflag:s13] =	ssyncset.done @!p3 $0x0  }
0x22f: {  	[sflag:s13] =	ssyncadd.s32 @!p3 $0xFFFFC000  }
0x230: {  	_ =	swait.ge @!p3 [sflag:s13], $0x80  }
0x231: {  	[sflag:s13] =	ssyncset.done @!p3 $0x0  }
0x232: {  	[sflag:s13] =	ssyncadd.s32 @!p3 $0xFFFFFF80  }
0x233: {  	v7 =	vld [tilespmem:s22+$0xFFFFFFC0];
	_ =	sdelay $0x3  }
0x234: {  	s29 =	sshll.u32 s6, $0x7  }
0x235: {  	[tilespmem:s29+$0x16480] =	vst v7  }
0x236: {  	v7 =	vld [tilespmem:s21+$0xFFFFFFC0];
	_ =	sdelay $0x4  }
0x237: {  	[tilespmem:s29+$0x16580] =	vst v7  }
0x238: {  	v7 =	vld [tilespmem:s22+$0xFFFFFFD0];
	_ =	sdelay $0x4  }
0x239: {  	[tilespmem:s29+$0x16490] =	vst v7  }
0x23a: {  	v7 =	vld [tilespmem:s21+$0xFFFFFFD0];
	_ =	sdelay $0x4  }
0x23b: {  	[tilespmem:s29+$0x16590] =	vst v7  }
0x23c: {  	v7 =	vld [tilespmem:s22+$0xFFFFFFE0];
	_ =	sdelay $0x4  }
0x23d: {  	[tilespmem:s29+$0x164A0] =	vst v7  }
0x23e: {  	v7 =	vld [tilespmem:s21+$0xFFFFFFE0];
	_ =	sdelay $0x4  }
0x23f: {  	[tilespmem:s29+$0x165A0] =	vst v7  }
0x240: {  	v7 =	vld [tilespmem:s22+$0xFFFFFFF0];
	_ =	sdelay $0x4  }
0x241: {  	[tilespmem:s29+$0x164B0] =	vst v7  }
0x242: {  	v7 =	vld [tilespmem:s21+$0xFFFFFFF0];
	_ =	sdelay $0x4  }
0x243: {  	[tilespmem:s29+$0x165B0] =	vst v7  }
0x244: {  	v7 =	vld [tilespmem:s22+$0x0];
	_ =	sdelay $0x4  }
0x245: {  	[tilespmem:s29+$0x164C0] =	vst v7  }
0x246: {  	v7 =	vld [tilespmem:s21+$0x0];
	_ =	sdelay $0x4  }
0x247: {  	[tilespmem:s29+$0x165C0] =	vst v7  }
0x248: {  	v7 =	vld [tilespmem:s22+$0x10];
	_ =	sdelay $0x4  }
0x249: {  	[tilespmem:s29+$0x164D0] =	vst v7  }
0x24a: {  	v7 =	vld [tilespmem:s21+$0x10];
	_ =	sdelay $0x4  }
0x24b: {  	[tilespmem:s29+$0x165D0] =	vst v7  }
0x24c: {  	v7 =	vld [tilespmem:s22+$0x20];
	_ =	sdelay $0x4  }
0x24d: {  	[tilespmem:s29+$0x164E0] =	vst v7  }
0x24e: {  	v7 =	vld [tilespmem:s21+$0x20];
	_ =	sdelay $0x4  }
0x24f: {  	[tilespmem:s29+$0x165E0] =	vst v7  }
0x250: {  	v7 =	vld [tilespmem:s22+$0x30];
	_ =	sdelay $0x4  }
0x251: {  	[tilespmem:s29+$0x164F0] =	vst v7  }
0x252: {  	v7 =	vld [tilespmem:s21+$0x30];
	_ =	sdelay $0x2  }
0x253: {  	s14 =	sshll.u32 s6, $0x10;
	s23 =	sshll.u32 s6, $0x9  }
0x254: {  	s6 =	sadd.s32 $0x1, s6;
	s14 =	sshra.s32 s14, $0x2;
	s23 =	sshra.s32 s23, $0x2  }
0x255: {  	s30 =	sadd.s32 $0x16680, s14;
	s31 =	sadd.s32 $0x16480, s23;
	p3 =	slt.s32 s19, $0x1;
	[tilespmem:s29+$0x165F0] =	vst v7  }
0x256: {  	[tilespmem:s30], [sflag:s6] =	stream.indirect.gather [hbm4b:s1+s10], $0x80, s31, s10, $0xb8;
	[tilespmem:$0x1E980] =	vst v63  }
0x257: {  	s6 =	sxor.u32 @!p3 $0xFFFFFFFF, s19  }
0x258: {  	s6 =	sand.u32 @!p3 $0x1, s6  }
0x259: {  	s13 =	sadd.s32 @!p3 $0x1, s6  }
0x25a: {  	s0 =	sadd.s32 $0xFFFFFF80, s0;
	_ =	swait.ge @!p3 [sflag:s13], $0x4000  }
0x25b: {  	s23 =	simm.s32 @!p3 $0x80;
	s14 =	sshll.u32 @!p3 s6, $0xE;
	[sflag:s13] =	ssyncset.done @!p3 $0x0  }
0x25c: {  	[sflag:s13] =	ssyncadd.s32 @!p3 $0xFFFFC000;
	s13 =	sadd.s32 @!p3 $0x16680, s14;
	s14 =	sshll.u32 @!p3 s6, $0x7  }
0x25d: {  	s24 =	rddreg [dreg:$0x6];
	s6 =	sadd.s32 @!p3 $0x5, s6;
	s14 =	sadd.s32 @!p3 $0x16580, s14  }
0x25e: {  	[spmem:s3] =	stream.indirect.scatter.add.f32 @!p3 [tilespmem:s13], [sflag:s6], $0x80, s14, s23, $0xb8;
	[tilespmem:$0x1E980] =	vst v63  }
0x25f: {  	s26 =	sadd.s32 s0, s24;
	s13 =	simm.s32 @!p3 $0x1E680  }
0x260: {  	[spmem:s4] =	stream.indirect.scatter.add.f32 @!p3 [tilespmem:s13], [sflag:s6], $0x1, s14, s23, $0xb8;
	[tilespmem:$0x1E980] =	vst v63  }
0x261: {  	p3 =	sgt.s32 s26, $0x7F  }
.Ltmp10:
0x262: {  	_ = 	snop;
	(pc) =	sbr.rel @p3 .LBB2_11-.Ltmp10, $2  }
0x263: {  	_ =	sdelay $0x2  }
0x264: {  	s22 =	sadd.s32 $0x80, s22;
	s21 =	sadd.s32 $0x80, s21;
	s19 =	sadd.s32 $0x1, s19  }
.Ltmp11:
0x265: {  	(pc) =	sbr.rel .LBB2_13-.Ltmp11, $2  }
0x266: {  	_ =	sdelay $0x2  }
0x267: {  	s13 =	ssub.s32 $0x0, s0  }
.LBB2_16:
0x268: {  	_ =	sfence.sel $0x180000  }
0x269: {  	[bflag:$0x0] =	sbarrier.arrive $0xFFFF  }
0x26a: {  	_ =	strace $0x90000047  }
0x26b: {  	s0 =	stileid.u32;
	[bflag:$0x2] =	sbarrier.arrive $0xFFFF  }
0x26c: {  	p0 =	sne.s32 s0, $0x0;
	s0 =	rddreg [dreg:$0x5]  }
0x26d: {  	s0 =	sadd.s32 @!p0 $0x100000, s0  }
0x26e: {  	[sflag:s0] =	ssyncadd.tile.s32 @!p0 $0x1;
	_ =	shalt  }
.Lfunc_end2:
_tile_overlayer_lowered:
.L_overlay_start_2:
0x26f: {  	(tag) =	ssettag $0x2  }
0x270: {  	s0 =	rddreg [dreg:$0x0];
	s2 =	stileid.u32  }
0x271: {  	s1 =	rddreg [dreg:$0x1];
	p0 =	sne.s32 s2, $0x0  }
0x272: {  	s3 =	rddreg [dreg:$0x2];
	[bflag:$0x3] =	sbarrier.arrive $0xFFFF;
	s2 =	simm.s32 @!p0 $0x1C08  }
0x273: {  	[timem:s3], [sflag:s2] =	dma.local @!p0 [hbm:s0], s1  }
0x274: {  	s0 =	simm.s32 @!p0 $0x8  }
0x275: {  	_ =	swait.ge @!p0 [sflag:s0], s1  }
0x276: {  	s1 =	ssub.s32 @!p0 $0x0, s1;
	[sflag:s0] =	ssyncset.done @!p0 $0x0  }
0x277: {  	[sflag:s0] =	ssyncadd.s32 @!p0 s1  }
0x278: {  	[bflag:$0x3] =	sbarrier.arrive $0xFFFF  }
0x279: {  	_ =	shalt  }

</sc_bundles>
